<compile_context>
chip_gen: v7x
topology: tpu7x:2x2x1
jax: 0.10.2.dev20260603
libtpu: 0.0.44.dev20260713+nightly
codegen_flags: <defaults>
</compile_context>

<pallas_src>
import jax
import jax.numpy as jnp
from jax import lax
from jax.experimental import pallas as pl
from jax.experimental.pallas import tpu as pltpu
from jax.experimental.pallas import tpu_sc as plsc

BATCH = 16384
N_FIELDS = 26
VOCAB = 100000
EMBED_DIM = 32

NUM_PAIRS = N_FIELDS * EMBED_DIM
NUM_WORKERS = 32
PAIRS_PER_W = NUM_PAIRS // NUM_WORKERS
OCHUNK = 4096
N_OCHUNKS = BATCH // OCHUNK
LANES = 16
UNROLL = 8
ELEMS = LANES * UNROLL


def _emb_body(idx_hbm, tab_hbm, out_hbm, row_v, idx_v, out_v, osem):
    cid = lax.axis_index("c")
    sid = lax.axis_index("s")
    wid = sid * 2 + cid
    p0 = wid * PAIRS_PER_W

    def pair_body(j, carry):
        p = p0 + j
        f = p // EMBED_DIM
        d = lax.rem(p, EMBED_DIM)

        @pl.when(jnp.logical_or(j == 0, d == 0))
        def _():
            pltpu.sync_copy(idx_hbm.at[f], idx_v)

        pltpu.sync_copy(tab_hbm.at[f, d], row_v)

        handles = [None, None]
        for c in range(N_OCHUNKS):
            buf = c & 1
            if handles[buf] is not None:
                handles[buf].wait()

            def bgroup(i, carry2, c=c, buf=buf):
                base = i * ELEMS
                for u in range(UNROLL):
                    off = base + u * LANES
                    iv = idx_v[pl.ds(c * OCHUNK + off, LANES)]
                    out_v[buf, pl.ds(off, LANES)] = plsc.load_gather(row_v, [iv])
                return carry2

            lax.fori_loop(0, OCHUNK // ELEMS, bgroup, 0)
            handles[buf] = pltpu.async_copy(
                out_v.at[buf],
                out_hbm.at[f, d, pl.ds(c * OCHUNK, OCHUNK)],
                osem,
            )
        handles[0].wait()
        handles[1].wait()
        return carry

    lax.fori_loop(0, PAIRS_PER_W, pair_body, 0)


_emb_call = pl.kernel(
    _emb_body,
    mesh=plsc.VectorSubcoreMesh(core_axis_name="c", subcore_axis_name="s"),
    out_type=jax.ShapeDtypeStruct((N_FIELDS, EMBED_DIM, BATCH), jnp.float32),
    scratch_types=[
        pltpu.VMEM((VOCAB,), jnp.float32),
        pltpu.VMEM((BATCH,), jnp.int32),
        pltpu.VMEM((2, OCHUNK), jnp.float32),
        pltpu.SemaphoreType.DMA,
    ],
    compiler_params=pltpu.CompilerParams(needs_layout_passes=False),
)


@jax.jit
def kernel(indices, tables):
    idx_t = indices.astype(jnp.int32).T
    tab_t = jnp.transpose(tables, (0, 2, 1))
    out_t = _emb_call(idx_t, tab_t)
    return jnp.transpose(out_t, (2, 0, 1))

# --- scband reference (transcript-rebuilt; emitter-appended) ---
"""Pipeline reference for scband-embedding-layer-39032662786598 (READ-ONLY COPY).

The authoritative reference and input builder live on the scoring server;
editing this copy changes nothing except your own understanding.
"""

import jax, jax.numpy as jnp
import numpy as np

BATCH = 16384
N_FIELDS = 26
VOCAB = 100000
EMBED_DIM = 32


def setup_inputs(seed: int = 0) -> dict:
    key = jax.random.key(seed)
    k1, k2 = jax.random.split(key)
    indices = jax.random.randint(k1, (BATCH, N_FIELDS), 0, VOCAB, dtype=jnp.int64 if jax.config.jax_enable_x64 else jnp.int32)
    # One embedding table per sparse feature (self.embed_dict), stacked into one tensor.
    tables = jax.random.normal(k2, (N_FIELDS, VOCAB, EMBED_DIM), dtype=jnp.float32) * 0.01
    return {"indices": indices, "tables": tables}


def reference(indices, tables):
    # EmbeddingLayer.call: for each SparseFeature, look up its own embedding table
    # on x[fea.name] (int ids), unsqueeze(1), and concatenate along the field axis.
    field_ids = jnp.arange(N_FIELDS)[None, :]  # [1, F]
    # Advanced indexing == per-field table[idx] gather, then stack along axis=1.
    sparse_emb = tables[field_ids, indices]  # [B, F, D]
    return sparse_emb

if __name__ == "__main__":
    import jax
    _d = setup_inputs()
    print(jax.jit(kernel)(*tuple(_d.values())))

</pallas_src>

<mosaic_0001>
#map = affine_map<(d0, d1) -> (0, 0)>
#map1 = affine_map<(d0, d1) -> (0, 0, 0)>
module attributes {stable_mosaic.version = 14 : i64} {
  func.func @_emb_body(%arg0: i32, %arg1: i32, %arg2: memref<26x16384xi32, #tpu.memory_space<hbm>>, %arg3: memref<26x32x100000xf32, #tpu.memory_space<hbm>>, %arg4: memref<26x32x16384xf32, #tpu.memory_space<hbm>>, %arg5: memref<100000xf32, #tpu.memory_space<vmem>>, %arg6: memref<16384xi32, #tpu.memory_space<vmem>>, %arg7: memref<2x4096xf32, #tpu.memory_space<vmem>>, %arg8: memref<!tpu.dma_semaphore, #tpu.memory_space<semaphore_mem>>) attributes {dimension_semantics = [#tpu.dimension_semantics<core_parallel>, #tpu.dimension_semantics<subcore_parallel>], iteration_bounds = array<i64: 2, 16>, scalar_prefetch = 0 : i64, scratch_operands = 4 : i64, tpu.core_type = #tpu.core_type<sc_vector_subcore>, window_params = [{transform_indices = #map}, {transform_indices = #map1}, {transform_indices = #map1}]} {
    %mul3A = arith.constant 2 : i32
    %mul3A_0 = arith.muli %arg1, %mul3A : i32
    %add3A = arith.addi %mul3A_0, %arg0 : i32
    %mul3A_1 = arith.constant 26 : i32
    %mul3A_2 = arith.muli %add3A, %mul3A_1 : i32
    %scan3A = arith.constant 0 : i32
    %scan3A_3 = arith.constant 0 : i32
    %scan3A_4 = arith.constant 26 : i32
    %scan3A_5 = arith.addi %scan3A_3, %scan3A_4 : i32
    %scan3A_6 = arith.constant 1 : i32
    scf.for %scan3A_8 = %scan3A_3 to %scan3A_5 step %scan3A_6  : i32 {
      %add3A_9 = arith.addi %mul3A_2, %scan3A_8 : i32
      %jit3A = arith.constant 32 : i32
      %div3A = arith.divsi %add3A_9, %jit3A : i32
      %sign3A = arith.constant 0 : i32
      %sign3A_10 = arith.cmpi sgt, %add3A_9, %sign3A : i32
      %sign3A_11 = arith.extui %sign3A_10 : i1 to i32
      %sign3A_12 = arith.constant 0 : i32
      %sign3A_13 = arith.cmpi slt, %add3A_9, %sign3A_12 : i32
      %sign3A_14 = arith.extui %sign3A_13 : i1 to i32
      %sign3A_15 = arith.subi %sign3A_11, %sign3A_14 : i32
      %sign3A_16 = arith.constant 0 : i32
      %sign3A_17 = arith.cmpi sgt, %jit3A, %sign3A_16 : i32
      %sign3A_18 = arith.extui %sign3A_17 : i1 to i32
      %sign3A_19 = arith.constant 0 : i32
      %sign3A_20 = arith.cmpi slt, %jit3A, %sign3A_19 : i32
      %sign3A_21 = arith.extui %sign3A_20 : i1 to i32
      %sign3A_22 = arith.subi %sign3A_18, %sign3A_21 : i32
      %ne3A = arith.cmpi ne, %sign3A_15, %sign3A_22 : i32
      %rem3A = arith.remsi %add3A_9, %jit3A : i32
      %ne3A_23 = arith.constant 0 : i32
      %ne3A_24 = arith.cmpi ne, %rem3A, %ne3A_23 : i32
      %and3A = arith.andi %ne3A, %ne3A_24 : i1
      %sub3A = arith.constant 1 : i32
      %sub3A_25 = arith.subi %div3A, %sub3A : i32
      %select_n3A = arith.select %and3A, %sub3A_25, %div3A : i32
      %rem3A_26 = arith.constant 32 : i32
      %rem3A_27 = arith.remsi %add3A_9, %rem3A_26 : i32
      %eq3A = arith.constant 0 : i32
      %eq3A_28 = arith.cmpi eq, %scan3A_8, %eq3A : i32
      %eq3A_29 = arith.constant 0 : i32
      %eq3A_30 = arith.cmpi eq, %rem3A_27, %eq3A_29 : i32
      %or3A = arith.ori %eq3A_28, %eq3A_30 : i1
      %convert_element_type3A = arith.extui %or3A : i1 to i32
      %cond3A = arith.constant 0 : i32
      %cond3A_31 = arith.cmpi ne, %convert_element_type3A, %cond3A : i32
      scf.if %cond3A_31 {
        "tpu.region"() ({
          %run_scoped3A = tpu.sem_alloc : memref<!tpu.dma_semaphore, #tpu.memory_space<semaphore_mem>>
          %dma_start3A_158 = arith.constant 0 : i32
          %dma_start3A_159 = tpu.memref_slice %arg2[%select_n3A, %dma_start3A_158] : memref<26x16384xi32, #tpu.memory_space<hbm>> -> memref<1x16384xi32, #tpu.memory_space<hbm>>
          %dma_start3A_160 = tpu.memref_squeeze %dma_start3A_159 : memref<1x16384xi32, #tpu.memory_space<hbm>> -> memref<16384xi32, #tpu.memory_space<hbm>>
          %dma_start3A_161 = arith.constant 0 : i32
          %dma_start3A_162 = tpu.memref_slice %arg2[%select_n3A, %dma_start3A_161] : memref<26x16384xi32, #tpu.memory_space<hbm>> -> memref<1x16384xi32, #tpu.memory_space<hbm>>
          %dma_start3A_163 = tpu.memref_squeeze %dma_start3A_162 : memref<1x16384xi32, #tpu.memory_space<hbm>> -> memref<16384xi32, #tpu.memory_space<hbm>>
          tpu.enqueue_dma source(%dma_start3A_163 : memref<16384xi32, #tpu.memory_space<hbm>>) target(%arg6 : memref<16384xi32, #tpu.memory_space<vmem>>) target_semaphore(%run_scoped3A : memref<!tpu.dma_semaphore, #tpu.memory_space<semaphore_mem>>)
          %dma_wait3A_164 = arith.constant 0 : i32
          %dma_wait3A_165 = tpu.memref_slice %arg2[%select_n3A, %dma_wait3A_164] : memref<26x16384xi32, #tpu.memory_space<hbm>> -> memref<1x16384xi32, #tpu.memory_space<hbm>>
          %dma_wait3A_166 = tpu.memref_squeeze %dma_wait3A_165 : memref<1x16384xi32, #tpu.memory_space<hbm>> -> memref<16384xi32, #tpu.memory_space<hbm>>
          %dma_wait3A_167 = arith.constant 0 : i32
          %dma_wait3A_168 = tpu.memref_slice %arg2[%select_n3A, %dma_wait3A_167] : memref<26x16384xi32, #tpu.memory_space<hbm>> -> memref<1x16384xi32, #tpu.memory_space<hbm>>
          %dma_wait3A_169 = tpu.memref_squeeze %dma_wait3A_168 : memref<1x16384xi32, #tpu.memory_space<hbm>> -> memref<16384xi32, #tpu.memory_space<hbm>>
          tpu.wait_dma2 semaphore(%run_scoped3A : memref<!tpu.dma_semaphore, #tpu.memory_space<semaphore_mem>>) src(%dma_wait3A_169 : memref<16384xi32, #tpu.memory_space<hbm>>) dst(%arg6 : memref<16384xi32, #tpu.memory_space<vmem>>)
          tpu.yield
        }) : () -> ()
      } else {
      }
      "tpu.region"() ({
        %run_scoped3A = tpu.sem_alloc : memref<!tpu.dma_semaphore, #tpu.memory_space<semaphore_mem>>
        %dma_start3A_158 = arith.constant 0 : i32
        %dma_start3A_159 = tpu.memref_slice %arg3[%select_n3A, %rem3A_27, %dma_start3A_158] : memref<26x32x100000xf32, #tpu.memory_space<hbm>> -> memref<1x1x100000xf32, #tpu.memory_space<hbm>>
        %dma_start3A_160 = tpu.memref_squeeze %dma_start3A_159 : memref<1x1x100000xf32, #tpu.memory_space<hbm>> -> memref<100000xf32, #tpu.memory_space<hbm>>
        %dma_start3A_161 = arith.constant 0 : i32
        %dma_start3A_162 = tpu.memref_slice %arg3[%select_n3A, %rem3A_27, %dma_start3A_161] : memref<26x32x100000xf32, #tpu.memory_space<hbm>> -> memref<1x1x100000xf32, #tpu.memory_space<hbm>>
        %dma_start3A_163 = tpu.memref_squeeze %dma_start3A_162 : memref<1x1x100000xf32, #tpu.memory_space<hbm>> -> memref<100000xf32, #tpu.memory_space<hbm>>
        tpu.enqueue_dma source(%dma_start3A_163 : memref<100000xf32, #tpu.memory_space<hbm>>) target(%arg5 : memref<100000xf32, #tpu.memory_space<vmem>>) target_semaphore(%run_scoped3A : memref<!tpu.dma_semaphore, #tpu.memory_space<semaphore_mem>>)
        %dma_wait3A_164 = arith.constant 0 : i32
        %dma_wait3A_165 = tpu.memref_slice %arg3[%select_n3A, %rem3A_27, %dma_wait3A_164] : memref<26x32x100000xf32, #tpu.memory_space<hbm>> -> memref<1x1x100000xf32, #tpu.memory_space<hbm>>
        %dma_wait3A_166 = tpu.memref_squeeze %dma_wait3A_165 : memref<1x1x100000xf32, #tpu.memory_space<hbm>> -> memref<100000xf32, #tpu.memory_space<hbm>>
        %dma_wait3A_167 = arith.constant 0 : i32
        %dma_wait3A_168 = tpu.memref_slice %arg3[%select_n3A, %rem3A_27, %dma_wait3A_167] : memref<26x32x100000xf32, #tpu.memory_space<hbm>> -> memref<1x1x100000xf32, #tpu.memory_space<hbm>>
        %dma_wait3A_169 = tpu.memref_squeeze %dma_wait3A_168 : memref<1x1x100000xf32, #tpu.memory_space<hbm>> -> memref<100000xf32, #tpu.memory_space<hbm>>
        tpu.wait_dma2 semaphore(%run_scoped3A : memref<!tpu.dma_semaphore, #tpu.memory_space<semaphore_mem>>) src(%dma_wait3A_169 : memref<100000xf32, #tpu.memory_space<hbm>>) dst(%arg5 : memref<100000xf32, #tpu.memory_space<vmem>>)
        tpu.yield
      }) : () -> ()
      %scan3A_32 = arith.constant 0 : i32
      %scan3A_33 = arith.constant 0 : i32
      %scan3A_34 = arith.constant 32 : i32
      %scan3A_35 = arith.addi %scan3A_33, %scan3A_34 : i32
      %scan3A_36 = arith.constant 1 : i32
      scf.for %scan3A_158 = %scan3A_33 to %scan3A_35 step %scan3A_36  : i32 {
        %mul3A_159 = arith.constant 128 : i32
        %mul3A_160 = arith.muli %scan3A_158, %mul3A_159 : i32
        %add3A_161 = arith.constant 0 : i32
        %add3A_162 = arith.addi %mul3A_160, %add3A_161 : i32
        %add3A_163 = arith.constant 0 : i32
        %add3A_164 = arith.addi %add3A_163, %add3A_162 : i32
        %get3A = arith.index_cast %add3A_164 : i32 to index
        %get3A_165 = tpu.vector_load %arg6[%get3A] {strides = array<i32>} : memref<16384xi32, #tpu.memory_space<vmem>>, vector<16xi32>,
        %gather3A = tpu.vector_load_idx %arg5[%get3A_165] : memref<100000xf32, #tpu.memory_space<vmem>>[vector<16xi32>], vector<16xf32>,
        %swap3A = arith.constant 0 : i32
        %swap3A_166 = arith.index_cast %swap3A : i32 to index
        %swap3A_167 = arith.index_cast %add3A_162 : i32 to index
        %swap3A_168 = tpu.vector_load %arg7[%swap3A_166, %swap3A_167] {strides = array<i32>} : memref<2x4096xf32, #tpu.memory_space<vmem>>, vector<16xf32>,
        tpu.vector_store %arg7[%swap3A_166, %swap3A_167], %gather3A {strides = array<i32>} : memref<2x4096xf32, #tpu.memory_space<vmem>>, vector<16xf32>,
        %add3A_169 = arith.constant 16 : i32
        %add3A_170 = arith.addi %mul3A_160, %add3A_169 : i32
        %add3A_171 = arith.constant 0 : i32
        %add3A_172 = arith.addi %add3A_171, %add3A_170 : i32
        %get3A_173 = arith.index_cast %add3A_172 : i32 to index
        %get3A_174 = tpu.vector_load %arg6[%get3A_173] {strides = array<i32>} : memref<16384xi32, #tpu.memory_space<vmem>>, vector<16xi32>,
        %gather3A_175 = tpu.vector_load_idx %arg5[%get3A_174] : memref<100000xf32, #tpu.memory_space<vmem>>[vector<16xi32>], vector<16xf32>,
        %swap3A_176 = arith.constant 0 : i32
        %swap3A_177 = arith.index_cast %swap3A_176 : i32 to index
        %swap3A_178 = arith.index_cast %add3A_170 : i32 to index
        %swap3A_179 = tpu.vector_load %arg7[%swap3A_177, %swap3A_178] {strides = array<i32>} : memref<2x4096xf32, #tpu.memory_space<vmem>>, vector<16xf32>,
        tpu.vector_store %arg7[%swap3A_177, %swap3A_178], %gather3A_175 {strides = array<i32>} : memref<2x4096xf32, #tpu.memory_space<vmem>>, vector<16xf32>,
        %add3A_180 = arith.constant 32 : i32
        %add3A_181 = arith.addi %mul3A_160, %add3A_180 : i32
        %add3A_182 = arith.constant 0 : i32
        %add3A_183 = arith.addi %add3A_182, %add3A_181 : i32
        %get3A_184 = arith.index_cast %add3A_183 : i32 to index
        %get3A_185 = tpu.vector_load %arg6[%get3A_184] {strides = array<i32>} : memref<16384xi32, #tpu.memory_space<vmem>>, vector<16xi32>,
        %gather3A_186 = tpu.vector_load_idx %arg5[%get3A_185] : memref<100000xf32, #tpu.memory_space<vmem>>[vector<16xi32>], vector<16xf32>,
        %swap3A_187 = arith.constant 0 : i32
        %swap3A_188 = arith.index_cast %swap3A_187 : i32 to index
        %swap3A_189 = arith.index_cast %add3A_181 : i32 to index
        %swap3A_190 = tpu.vector_load %arg7[%swap3A_188, %swap3A_189] {strides = array<i32>} : memref<2x4096xf32, #tpu.memory_space<vmem>>, vector<16xf32>,
        tpu.vector_store %arg7[%swap3A_188, %swap3A_189], %gather3A_186 {strides = array<i32>} : memref<2x4096xf32, #tpu.memory_space<vmem>>, vector<16xf32>,
        %add3A_191 = arith.constant 48 : i32
        %add3A_192 = arith.addi %mul3A_160, %add3A_191 : i32
        %add3A_193 = arith.constant 0 : i32
        %add3A_194 = arith.addi %add3A_193, %add3A_192 : i32
        %get3A_195 = arith.index_cast %add3A_194 : i32 to index
        %get3A_196 = tpu.vector_load %arg6[%get3A_195] {strides = array<i32>} : memref<16384xi32, #tpu.memory_space<vmem>>, vector<16xi32>,
        %gather3A_197 = tpu.vector_load_idx %arg5[%get3A_196] : memref<100000xf32, #tpu.memory_space<vmem>>[vector<16xi32>], vector<16xf32>,
        %swap3A_198 = arith.constant 0 : i32
        %swap3A_199 = arith.index_cast %swap3A_198 : i32 to index
        %swap3A_200 = arith.index_cast %add3A_192 : i32 to index
        %swap3A_201 = tpu.vector_load %arg7[%swap3A_199, %swap3A_200] {strides = array<i32>} : memref<2x4096xf32, #tpu.memory_space<vmem>>, vector<16xf32>,
        tpu.vector_store %arg7[%swap3A_199, %swap3A_200], %gather3A_197 {strides = array<i32>} : memref<2x4096xf32, #tpu.memory_space<vmem>>, vector<16xf32>,
        %add3A_202 = arith.constant 64 : i32
        %add3A_203 = arith.addi %mul3A_160, %add3A_202 : i32
        %add3A_204 = arith.constant 0 : i32
        %add3A_205 = arith.addi %add3A_204, %add3A_203 : i32
        %get3A_206 = arith.index_cast %add3A_205 : i32 to index
        %get3A_207 = tpu.vector_load %arg6[%get3A_206] {strides = array<i32>} : memref<16384xi32, #tpu.memory_space<vmem>>, vector<16xi32>,
        %gather3A_208 = tpu.vector_load_idx %arg5[%get3A_207] : memref<100000xf32, #tpu.memory_space<vmem>>[vector<16xi32>], vector<16xf32>,
        %swap3A_209 = arith.constant 0 : i32
        %swap3A_210 = arith.index_cast %swap3A_209 : i32 to index
        %swap3A_211 = arith.index_cast %add3A_203 : i32 to index
        %swap3A_212 = tpu.vector_load %arg7[%swap3A_210, %swap3A_211] {strides = array<i32>} : memref<2x4096xf32, #tpu.memory_space<vmem>>, vector<16xf32>,
        tpu.vector_store %arg7[%swap3A_210, %swap3A_211], %gather3A_208 {strides = array<i32>} : memref<2x4096xf32, #tpu.memory_space<vmem>>, vector<16xf32>,
        %add3A_213 = arith.constant 80 : i32
        %add3A_214 = arith.addi %mul3A_160, %add3A_213 : i32
        %add3A_215 = arith.constant 0 : i32
        %add3A_216 = arith.addi %add3A_215, %add3A_214 : i32
        %get3A_217 = arith.index_cast %add3A_216 : i32 to index
        %get3A_218 = tpu.vector_load %arg6[%get3A_217] {strides = array<i32>} : memref<16384xi32, #tpu.memory_space<vmem>>, vector<16xi32>,
        %gather3A_219 = tpu.vector_load_idx %arg5[%get3A_218] : memref<100000xf32, #tpu.memory_space<vmem>>[vector<16xi32>], vector<16xf32>,
        %swap3A_220 = arith.constant 0 : i32
        %swap3A_221 = arith.index_cast %swap3A_220 : i32 to index
        %swap3A_222 = arith.index_cast %add3A_214 : i32 to index
        %swap3A_223 = tpu.vector_load %arg7[%swap3A_221, %swap3A_222] {strides = array<i32>} : memref<2x4096xf32, #tpu.memory_space<vmem>>, vector<16xf32>,
        tpu.vector_store %arg7[%swap3A_221, %swap3A_222], %gather3A_219 {strides = array<i32>} : memref<2x4096xf32, #tpu.memory_space<vmem>>, vector<16xf32>,
        %add3A_224 = arith.constant 96 : i32
        %add3A_225 = arith.addi %mul3A_160, %add3A_224 : i32
        %add3A_226 = arith.constant 0 : i32
        %add3A_227 = arith.addi %add3A_226, %add3A_225 : i32
        %get3A_228 = arith.index_cast %add3A_227 : i32 to index
        %get3A_229 = tpu.vector_load %arg6[%get3A_228] {strides = array<i32>} : memref<16384xi32, #tpu.memory_space<vmem>>, vector<16xi32>,
        %gather3A_230 = tpu.vector_load_idx %arg5[%get3A_229] : memref<100000xf32, #tpu.memory_space<vmem>>[vector<16xi32>], vector<16xf32>,
        %swap3A_231 = arith.constant 0 : i32
        %swap3A_232 = arith.index_cast %swap3A_231 : i32 to index
        %swap3A_233 = arith.index_cast %add3A_225 : i32 to index
        %swap3A_234 = tpu.vector_load %arg7[%swap3A_232, %swap3A_233] {strides = array<i32>} : memref<2x4096xf32, #tpu.memory_space<vmem>>, vector<16xf32>,
        tpu.vector_store %arg7[%swap3A_232, %swap3A_233], %gather3A_230 {strides = array<i32>} : memref<2x4096xf32, #tpu.memory_space<vmem>>, vector<16xf32>,
        %add3A_235 = arith.constant 112 : i32
        %add3A_236 = arith.addi %mul3A_160, %add3A_235 : i32
        %add3A_237 = arith.constant 0 : i32
        %add3A_238 = arith.addi %add3A_237, %add3A_236 : i32
        %get3A_239 = arith.index_cast %add3A_238 : i32 to index
        %get3A_240 = tpu.vector_load %arg6[%get3A_239] {strides = array<i32>} : memref<16384xi32, #tpu.memory_space<vmem>>, vector<16xi32>,
        %gather3A_241 = tpu.vector_load_idx %arg5[%get3A_240] : memref<100000xf32, #tpu.memory_space<vmem>>[vector<16xi32>], vector<16xf32>,
        %swap3A_242 = arith.constant 0 : i32
        %swap3A_243 = arith.index_cast %swap3A_242 : i32 to index
        %swap3A_244 = arith.index_cast %add3A_236 : i32 to index
        %swap3A_245 = tpu.vector_load %arg7[%swap3A_243, %swap3A_244] {strides = array<i32>} : memref<2x4096xf32, #tpu.memory_space<vmem>>, vector<16xf32>,
        tpu.vector_store %arg7[%swap3A_243, %swap3A_244], %gather3A_241 {strides = array<i32>} : memref<2x4096xf32, #tpu.memory_space<vmem>>, vector<16xf32>,
      }
      %scan3A_37 = arith.constant 32 : i32
      %dma_start3A = arith.constant 0 : i32
      %dma_start3A_38 = arith.constant 0 : i32
      %dma_start3A_39 = tpu.memref_slice %arg7[%dma_start3A, %dma_start3A_38] : memref<2x4096xf32, #tpu.memory_space<vmem>> -> memref<1x4096xf32, #tpu.memory_space<vmem>>
      %dma_start3A_40 = tpu.memref_squeeze %dma_start3A_39 : memref<1x4096xf32, #tpu.memory_space<vmem>> -> memref<4096xf32, #tpu.memory_space<vmem>>
      %dma_start3A_41 = arith.constant 0 : i32
      %dma_start3A_42 = tpu.memref_slice %arg4[%select_n3A, %rem3A_27, %dma_start3A_41] : memref<26x32x16384xf32, #tpu.memory_space<hbm>> -> memref<1x1x4096xf32, #tpu.memory_space<hbm>>
      %dma_start3A_43 = tpu.memref_squeeze %dma_start3A_42 : memref<1x1x4096xf32, #tpu.memory_space<hbm>> -> memref<4096xf32, #tpu.memory_space<hbm>>
      %dma_start3A_44 = arith.constant 0 : i32
      %dma_start3A_45 = tpu.memref_slice %arg4[%select_n3A, %rem3A_27, %dma_start3A_44] : memref<26x32x16384xf32, #tpu.memory_space<hbm>> -> memref<1x1x4096xf32, #tpu.memory_space<hbm>>
      %dma_start3A_46 = tpu.memref_squeeze %dma_start3A_45 : memref<1x1x4096xf32, #tpu.memory_space<hbm>> -> memref<4096xf32, #tpu.memory_space<hbm>>
      %dma_start3A_47 = arith.constant 0 : i32
      %dma_start3A_48 = tpu.memref_slice %arg7[%dma_start3A, %dma_start3A_47] : memref<2x4096xf32, #tpu.memory_space<vmem>> -> memref<1x4096xf32, #tpu.memory_space<vmem>>
      %dma_start3A_49 = tpu.memref_squeeze %dma_start3A_48 : memref<1x4096xf32, #tpu.memory_space<vmem>> -> memref<4096xf32, #tpu.memory_space<vmem>>
      tpu.enqueue_dma source(%dma_start3A_49 : memref<4096xf32, #tpu.memory_space<vmem>>) target(%dma_start3A_46 : memref<4096xf32, #tpu.memory_space<hbm>>) target_semaphore(%arg8 : memref<!tpu.dma_semaphore, #tpu.memory_space<semaphore_mem>>)
      %scan3A_50 = arith.constant 0 : i32
      %scan3A_51 = arith.constant 0 : i32
      %scan3A_52 = arith.constant 32 : i32
      %scan3A_53 = arith.addi %scan3A_51, %scan3A_52 : i32
      %scan3A_54 = arith.constant 1 : i32
      scf.for %scan3A_158 = %scan3A_51 to %scan3A_53 step %scan3A_54  : i32 {
        %mul3A_159 = arith.constant 128 : i32
        %mul3A_160 = arith.muli %scan3A_158, %mul3A_159 : i32
        %add3A_161 = arith.constant 0 : i32
        %add3A_162 = arith.addi %mul3A_160, %add3A_161 : i32
        %add3A_163 = arith.constant 4096 : i32
        %add3A_164 = arith.addi %add3A_163, %add3A_162 : i32
        %get3A = arith.index_cast %add3A_164 : i32 to index
        %get3A_165 = tpu.vector_load %arg6[%get3A] {strides = array<i32>} : memref<16384xi32, #tpu.memory_space<vmem>>, vector<16xi32>,
        %gather3A = tpu.vector_load_idx %arg5[%get3A_165] : memref<100000xf32, #tpu.memory_space<vmem>>[vector<16xi32>], vector<16xf32>,
        %swap3A = arith.constant 1 : i32
        %swap3A_166 = arith.index_cast %swap3A : i32 to index
        %swap3A_167 = arith.index_cast %add3A_162 : i32 to index
        %swap3A_168 = tpu.vector_load %arg7[%swap3A_166, %swap3A_167] {strides = array<i32>} : memref<2x4096xf32, #tpu.memory_space<vmem>>, vector<16xf32>,
        tpu.vector_store %arg7[%swap3A_166, %swap3A_167], %gather3A {strides = array<i32>} : memref<2x4096xf32, #tpu.memory_space<vmem>>, vector<16xf32>,
        %add3A_169 = arith.constant 16 : i32
        %add3A_170 = arith.addi %mul3A_160, %add3A_169 : i32
        %add3A_171 = arith.constant 4096 : i32
        %add3A_172 = arith.addi %add3A_171, %add3A_170 : i32
        %get3A_173 = arith.index_cast %add3A_172 : i32 to index
        %get3A_174 = tpu.vector_load %arg6[%get3A_173] {strides = array<i32>} : memref<16384xi32, #tpu.memory_space<vmem>>, vector<16xi32>,
        %gather3A_175 = tpu.vector_load_idx %arg5[%get3A_174] : memref<100000xf32, #tpu.memory_space<vmem>>[vector<16xi32>], vector<16xf32>,
        %swap3A_176 = arith.constant 1 : i32
        %swap3A_177 = arith.index_cast %swap3A_176 : i32 to index
        %swap3A_178 = arith.index_cast %add3A_170 : i32 to index
        %swap3A_179 = tpu.vector_load %arg7[%swap3A_177, %swap3A_178] {strides = array<i32>} : memref<2x4096xf32, #tpu.memory_space<vmem>>, vector<16xf32>,
        tpu.vector_store %arg7[%swap3A_177, %swap3A_178], %gather3A_175 {strides = array<i32>} : memref<2x4096xf32, #tpu.memory_space<vmem>>, vector<16xf32>,
        %add3A_180 = arith.constant 32 : i32
        %add3A_181 = arith.addi %mul3A_160, %add3A_180 : i32
        %add3A_182 = arith.constant 4096 : i32
        %add3A_183 = arith.addi %add3A_182, %add3A_181 : i32
        %get3A_184 = arith.index_cast %add3A_183 : i32 to index
        %get3A_185 = tpu.vector_load %arg6[%get3A_184] {strides = array<i32>} : memref<16384xi32, #tpu.memory_space<vmem>>, vector<16xi32>,
        %gather3A_186 = tpu.vector_load_idx %arg5[%get3A_185] : memref<100000xf32, #tpu.memory_space<vmem>>[vector<16xi32>], vector<16xf32>,
        %swap3A_187 = arith.constant 1 : i32
        %swap3A_188 = arith.index_cast %swap3A_187 : i32 to index
        %swap3A_189 = arith.index_cast %add3A_181 : i32 to index
        %swap3A_190 = tpu.vector_load %arg7[%swap3A_188, %swap3A_189] {strides = array<i32>} : memref<2x4096xf32, #tpu.memory_space<vmem>>, vector<16xf32>,
        tpu.vector_store %arg7[%swap3A_188, %swap3A_189], %gather3A_186 {strides = array<i32>} : memref<2x4096xf32, #tpu.memory_space<vmem>>, vector<16xf32>,
        %add3A_191 = arith.constant 48 : i32
        %add3A_192 = arith.addi %mul3A_160, %add3A_191 : i32
        %add3A_193 = arith.constant 4096 : i32
        %add3A_194 = arith.addi %add3A_193, %add3A_192 : i32
        %get3A_195 = arith.index_cast %add3A_194 : i32 to index
        %get3A_196 = tpu.vector_load %arg6[%get3A_195] {strides = array<i32>} : memref<16384xi32, #tpu.memory_space<vmem>>, vector<16xi32>,
        %gather3A_197 = tpu.vector_load_idx %arg5[%get3A_196] : memref<100000xf32, #tpu.memory_space<vmem>>[vector<16xi32>], vector<16xf32>,
        %swap3A_198 = arith.constant 1 : i32
        %swap3A_199 = arith.index_cast %swap3A_198 : i32 to index
        %swap3A_200 = arith.index_cast %add3A_192 : i32 to index
        %swap3A_201 = tpu.vector_load %arg7[%swap3A_199, %swap3A_200] {strides = array<i32>} : memref<2x4096xf32, #tpu.memory_space<vmem>>, vector<16xf32>,
        tpu.vector_store %arg7[%swap3A_199, %swap3A_200], %gather3A_197 {strides = array<i32>} : memref<2x4096xf32, #tpu.memory_space<vmem>>, vector<16xf32>,
        %add3A_202 = arith.constant 64 : i32
        %add3A_203 = arith.addi %mul3A_160, %add3A_202 : i32
        %add3A_204 = arith.constant 4096 : i32
        %add3A_205 = arith.addi %add3A_204, %add3A_203 : i32
        %get3A_206 = arith.index_cast %add3A_205 : i32 to index
        %get3A_207 = tpu.vector_load %arg6[%get3A_206] {strides = array<i32>} : memref<16384xi32, #tpu.memory_space<vmem>>, vector<16xi32>,
        %gather3A_208 = tpu.vector_load_idx %arg5[%get3A_207] : memref<100000xf32, #tpu.memory_space<vmem>>[vector<16xi32>], vector<16xf32>,
        %swap3A_209 = arith.constant 1 : i32
        %swap3A_210 = arith.index_cast %swap3A_209 : i32 to index
        %swap3A_211 = arith.index_cast %add3A_203 : i32 to index
        %swap3A_212 = tpu.vector_load %arg7[%swap3A_210, %swap3A_211] {strides = array<i32>} : memref<2x4096xf32, #tpu.memory_space<vmem>>, vector<16xf32>,
        tpu.vector_store %arg7[%swap3A_210, %swap3A_211], %gather3A_208 {strides = array<i32>} : memref<2x4096xf32, #tpu.memory_space<vmem>>, vector<16xf32>,
        %add3A_213 = arith.constant 80 : i32
        %add3A_214 = arith.addi %mul3A_160, %add3A_213 : i32
        %add3A_215 = arith.constant 4096 : i32
        %add3A_216 = arith.addi %add3A_215, %add3A_214 : i32
        %get3A_217 = arith.index_cast %add3A_216 : i32 to index
        %get3A_218 = tpu.vector_load %arg6[%get3A_217] {strides = array<i32>} : memref<16384xi32, #tpu.memory_space<vmem>>, vector<16xi32>,
        %gather3A_219 = tpu.vector_load_idx %arg5[%get3A_218] : memref<100000xf32, #tpu.memory_space<vmem>>[vector<16xi32>], vector<16xf32>,
        %swap3A_220 = arith.constant 1 : i32
        %swap3A_221 = arith.index_cast %swap3A_220 : i32 to index
        %swap3A_222 = arith.index_cast %add3A_214 : i32 to index
        %swap3A_223 = tpu.vector_load %arg7[%swap3A_221, %swap3A_222] {strides = array<i32>} : memref<2x4096xf32, #tpu.memory_space<vmem>>, vector<16xf32>,
        tpu.vector_store %arg7[%swap3A_221, %swap3A_222], %gather3A_219 {strides = array<i32>} : memref<2x4096xf32, #tpu.memory_space<vmem>>, vector<16xf32>,
        %add3A_224 = arith.constant 96 : i32
        %add3A_225 = arith.addi %mul3A_160, %add3A_224 : i32
        %add3A_226 = arith.constant 4096 : i32
        %add3A_227 = arith.addi %add3A_226, %add3A_225 : i32
        %get3A_228 = arith.index_cast %add3A_227 : i32 to index
        %get3A_229 = tpu.vector_load %arg6[%get3A_228] {strides = array<i32>} : memref<16384xi32, #tpu.memory_space<vmem>>, vector<16xi32>,
        %gather3A_230 = tpu.vector_load_idx %arg5[%get3A_229] : memref<100000xf32, #tpu.memory_space<vmem>>[vector<16xi32>], vector<16xf32>,
        %swap3A_231 = arith.constant 1 : i32
        %swap3A_232 = arith.index_cast %swap3A_231 : i32 to index
        %swap3A_233 = arith.index_cast %add3A_225 : i32 to index
        %swap3A_234 = tpu.vector_load %arg7[%swap3A_232, %swap3A_233] {strides = array<i32>} : memref<2x4096xf32, #tpu.memory_space<vmem>>, vector<16xf32>,
        tpu.vector_store %arg7[%swap3A_232, %swap3A_233], %gather3A_230 {strides = array<i32>} : memref<2x4096xf32, #tpu.memory_space<vmem>>, vector<16xf32>,
        %add3A_235 = arith.constant 112 : i32
        %add3A_236 = arith.addi %mul3A_160, %add3A_235 : i32
        %add3A_237 = arith.constant 4096 : i32
        %add3A_238 = arith.addi %add3A_237, %add3A_236 : i32
        %get3A_239 = arith.index_cast %add3A_238 : i32 to index
        %get3A_240 = tpu.vector_load %arg6[%get3A_239] {strides = array<i32>} : memref<16384xi32, #tpu.memory_space<vmem>>, vector<16xi32>,
        %gather3A_241 = tpu.vector_load_idx %arg5[%get3A_240] : memref<100000xf32, #tpu.memory_space<vmem>>[vector<16xi32>], vector<16xf32>,
        %swap3A_242 = arith.constant 1 : i32
        %swap3A_243 = arith.index_cast %swap3A_242 : i32 to index
        %swap3A_244 = arith.index_cast %add3A_236 : i32 to index
        %swap3A_245 = tpu.vector_load %arg7[%swap3A_243, %swap3A_244] {strides = array<i32>} : memref<2x4096xf32, #tpu.memory_space<vmem>>, vector<16xf32>,
        tpu.vector_store %arg7[%swap3A_243, %swap3A_244], %gather3A_241 {strides = array<i32>} : memref<2x4096xf32, #tpu.memory_space<vmem>>, vector<16xf32>,
      }
      %scan3A_55 = arith.constant 32 : i32
      %dma_start3A_56 = arith.constant 1 : i32
      %dma_start3A_57 = arith.constant 0 : i32
      %dma_start3A_58 = tpu.memref_slice %arg7[%dma_start3A_56, %dma_start3A_57] : memref<2x4096xf32, #tpu.memory_space<vmem>> -> memref<1x4096xf32, #tpu.memory_space<vmem>>
      %dma_start3A_59 = tpu.memref_squeeze %dma_start3A_58 : memref<1x4096xf32, #tpu.memory_space<vmem>> -> memref<4096xf32, #tpu.memory_space<vmem>>
      %dma_start3A_60 = arith.constant 4096 : i32
      %dma_start3A_61 = tpu.memref_slice %arg4[%select_n3A, %rem3A_27, %dma_start3A_60] : memref<26x32x16384xf32, #tpu.memory_space<hbm>> -> memref<1x1x4096xf32, #tpu.memory_space<hbm>>
      %dma_start3A_62 = tpu.memref_squeeze %dma_start3A_61 : memref<1x1x4096xf32, #tpu.memory_space<hbm>> -> memref<4096xf32, #tpu.memory_space<hbm>>
      %dma_start3A_63 = arith.constant 4096 : i32
      %dma_start3A_64 = tpu.memref_slice %arg4[%select_n3A, %rem3A_27, %dma_start3A_63] : memref<26x32x16384xf32, #tpu.memory_space<hbm>> -> memref<1x1x4096xf32, #tpu.memory_space<hbm>>
      %dma_start3A_65 = tpu.memref_squeeze %dma_start3A_64 : memref<1x1x4096xf32, #tpu.memory_space<hbm>> -> memref<4096xf32, #tpu.memory_space<hbm>>
      %dma_start3A_66 = arith.constant 0 : i32
      %dma_start3A_67 = tpu.memref_slice %arg7[%dma_start3A_56, %dma_start3A_66] : memref<2x4096xf32, #tpu.memory_space<vmem>> -> memref<1x4096xf32, #tpu.memory_space<vmem>>
      %dma_start3A_68 = tpu.memref_squeeze %dma_start3A_67 : memref<1x4096xf32, #tpu.memory_space<vmem>> -> memref<4096xf32, #tpu.memory_space<vmem>>
      tpu.enqueue_dma source(%dma_start3A_68 : memref<4096xf32, #tpu.memory_space<vmem>>) target(%dma_start3A_65 : memref<4096xf32, #tpu.memory_space<hbm>>) target_semaphore(%arg8 : memref<!tpu.dma_semaphore, #tpu.memory_space<semaphore_mem>>)
      %dma_wait3A = arith.constant 0 : i32
      %dma_wait3A_69 = arith.constant 0 : i32
      %dma_wait3A_70 = tpu.memref_slice %arg7[%dma_wait3A, %dma_wait3A_69] : memref<2x4096xf32, #tpu.memory_space<vmem>> -> memref<1x4096xf32, #tpu.memory_space<vmem>>
      %dma_wait3A_71 = tpu.memref_squeeze %dma_wait3A_70 : memref<1x4096xf32, #tpu.memory_space<vmem>> -> memref<4096xf32, #tpu.memory_space<vmem>>
      %dma_wait3A_72 = arith.constant 0 : i32
      %dma_wait3A_73 = tpu.memref_slice %arg4[%select_n3A, %rem3A_27, %dma_wait3A_72] : memref<26x32x16384xf32, #tpu.memory_space<hbm>> -> memref<1x1x4096xf32, #tpu.memory_space<hbm>>
      %dma_wait3A_74 = tpu.memref_squeeze %dma_wait3A_73 : memref<1x1x4096xf32, #tpu.memory_space<hbm>> -> memref<4096xf32, #tpu.memory_space<hbm>>
      %dma_wait3A_75 = arith.constant 0 : i32
      %dma_wait3A_76 = tpu.memref_slice %arg4[%select_n3A, %rem3A_27, %dma_wait3A_75] : memref<26x32x16384xf32, #tpu.memory_space<hbm>> -> memref<1x1x4096xf32, #tpu.memory_space<hbm>>
      %dma_wait3A_77 = tpu.memref_squeeze %dma_wait3A_76 : memref<1x1x4096xf32, #tpu.memory_space<hbm>> -> memref<4096xf32, #tpu.memory_space<hbm>>
      %dma_wait3A_78 = arith.constant 0 : i32
      %dma_wait3A_79 = tpu.memref_slice %arg7[%dma_wait3A, %dma_wait3A_78] : memref<2x4096xf32, #tpu.memory_space<vmem>> -> memref<1x4096xf32, #tpu.memory_space<vmem>>
      %dma_wait3A_80 = tpu.memref_squeeze %dma_wait3A_79 : memref<1x4096xf32, #tpu.memory_space<vmem>> -> memref<4096xf32, #tpu.memory_space<vmem>>
      tpu.wait_dma2 semaphore(%arg8 : memref<!tpu.dma_semaphore, #tpu.memory_space<semaphore_mem>>) src(%dma_wait3A_80 : memref<4096xf32, #tpu.memory_space<vmem>>) dst(%dma_wait3A_77 : memref<4096xf32, #tpu.memory_space<hbm>>)
      %scan3A_81 = arith.constant 0 : i32
      %scan3A_82 = arith.constant 0 : i32
      %scan3A_83 = arith.constant 32 : i32
      %scan3A_84 = arith.addi %scan3A_82, %scan3A_83 : i32
      %scan3A_85 = arith.constant 1 : i32
      scf.for %scan3A_158 = %scan3A_82 to %scan3A_84 step %scan3A_85  : i32 {
        %mul3A_159 = arith.constant 128 : i32
        %mul3A_160 = arith.muli %scan3A_158, %mul3A_159 : i32
        %add3A_161 = arith.constant 0 : i32
        %add3A_162 = arith.addi %mul3A_160, %add3A_161 : i32
        %add3A_163 = arith.constant 8192 : i32
        %add3A_164 = arith.addi %add3A_163, %add3A_162 : i32
        %get3A = arith.index_cast %add3A_164 : i32 to index
        %get3A_165 = tpu.vector_load %arg6[%get3A] {strides = array<i32>} : memref<16384xi32, #tpu.memory_space<vmem>>, vector<16xi32>,
        %gather3A = tpu.vector_load_idx %arg5[%get3A_165] : memref<100000xf32, #tpu.memory_space<vmem>>[vector<16xi32>], vector<16xf32>,
        %swap3A = arith.constant 0 : i32
        %swap3A_166 = arith.index_cast %swap3A : i32 to index
        %swap3A_167 = arith.index_cast %add3A_162 : i32 to index
        %swap3A_168 = tpu.vector_load %arg7[%swap3A_166, %swap3A_167] {strides = array<i32>} : memref<2x4096xf32, #tpu.memory_space<vmem>>, vector<16xf32>,
        tpu.vector_store %arg7[%swap3A_166, %swap3A_167], %gather3A {strides = array<i32>} : memref<2x4096xf32, #tpu.memory_space<vmem>>, vector<16xf32>,
        %add3A_169 = arith.constant 16 : i32
        %add3A_170 = arith.addi %mul3A_160, %add3A_169 : i32
        %add3A_171 = arith.constant 8192 : i32
        %add3A_172 = arith.addi %add3A_171, %add3A_170 : i32
        %get3A_173 = arith.index_cast %add3A_172 : i32 to index
        %get3A_174 = tpu.vector_load %arg6[%get3A_173] {strides = array<i32>} : memref<16384xi32, #tpu.memory_space<vmem>>, vector<16xi32>,
        %gather3A_175 = tpu.vector_load_idx %arg5[%get3A_174] : memref<100000xf32, #tpu.memory_space<vmem>>[vector<16xi32>], vector<16xf32>,
        %swap3A_176 = arith.constant 0 : i32
        %swap3A_177 = arith.index_cast %swap3A_176 : i32 to index
        %swap3A_178 = arith.index_cast %add3A_170 : i32 to index
        %swap3A_179 = tpu.vector_load %arg7[%swap3A_177, %swap3A_178] {strides = array<i32>} : memref<2x4096xf32, #tpu.memory_space<vmem>>, vector<16xf32>,
        tpu.vector_store %arg7[%swap3A_177, %swap3A_178], %gather3A_175 {strides = array<i32>} : memref<2x4096xf32, #tpu.memory_space<vmem>>, vector<16xf32>,
        %add3A_180 = arith.constant 32 : i32
        %add3A_181 = arith.addi %mul3A_160, %add3A_180 : i32
        %add3A_182 = arith.constant 8192 : i32
        %add3A_183 = arith.addi %add3A_182, %add3A_181 : i32
        %get3A_184 = arith.index_cast %add3A_183 : i32 to index
        %get3A_185 = tpu.vector_load %arg6[%get3A_184] {strides = array<i32>} : memref<16384xi32, #tpu.memory_space<vmem>>, vector<16xi32>,
        %gather3A_186 = tpu.vector_load_idx %arg5[%get3A_185] : memref<100000xf32, #tpu.memory_space<vmem>>[vector<16xi32>], vector<16xf32>,
        %swap3A_187 = arith.constant 0 : i32
        %swap3A_188 = arith.index_cast %swap3A_187 : i32 to index
        %swap3A_189 = arith.index_cast %add3A_181 : i32 to index
        %swap3A_190 = tpu.vector_load %arg7[%swap3A_188, %swap3A_189] {strides = array<i32>} : memref<2x4096xf32, #tpu.memory_space<vmem>>, vector<16xf32>,
        tpu.vector_store %arg7[%swap3A_188, %swap3A_189], %gather3A_186 {strides = array<i32>} : memref<2x4096xf32, #tpu.memory_space<vmem>>, vector<16xf32>,
        %add3A_191 = arith.constant 48 : i32
        %add3A_192 = arith.addi %mul3A_160, %add3A_191 : i32
        %add3A_193 = arith.constant 8192 : i32
        %add3A_194 = arith.addi %add3A_193, %add3A_192 : i32
        %get3A_195 = arith.index_cast %add3A_194 : i32 to index
        %get3A_196 = tpu.vector_load %arg6[%get3A_195] {strides = array<i32>} : memref<16384xi32, #tpu.memory_space<vmem>>, vector<16xi32>,
        %gather3A_197 = tpu.vector_load_idx %arg5[%get3A_196] : memref<100000xf32, #tpu.memory_space<vmem>>[vector<16xi32>], vector<16xf32>,
        %swap3A_198 = arith.constant 0 : i32
        %swap3A_199 = arith.index_cast %swap3A_198 : i32 to index
        %swap3A_200 = arith.index_cast %add3A_192 : i32 to index
        %swap3A_201 = tpu.vector_load %arg7[%swap3A_199, %swap3A_200] {strides = array<i32>} : memref<2x4096xf32, #tpu.memory_space<vmem>>, vector<16xf32>,
        tpu.vector_store %arg7[%swap3A_199, %swap3A_200], %gather3A_197 {strides = array<i32>} : memref<2x4096xf32, #tpu.memory_space<vmem>>, vector<16xf32>,
        %add3A_202 = arith.constant 64 : i32
        %add3A_203 = arith.addi %mul3A_160, %add3A_202 : i32
        %add3A_204 = arith.constant 8192 : i32
        %add3A_205 = arith.addi %add3A_204, %add3A_203 : i32
        %get3A_206 = arith.index_cast %add3A_205 : i32 to index
        %get3A_207 = tpu.vector_load %arg6[%get3A_206] {strides = array<i32>} : memref<16384xi32, #tpu.memory_space<vmem>>, vector<16xi32>,
        %gather3A_208 = tpu.vector_load_idx %arg5[%get3A_207] : memref<100000xf32, #tpu.memory_space<vmem>>[vector<16xi32>], vector<16xf32>,
        %swap3A_209 = arith.constant 0 : i32
        %swap3A_210 = arith.index_cast %swap3A_209 : i32 to index
        %swap3A_211 = arith.index_cast %add3A_203 : i32 to index
        %swap3A_212 = tpu.vector_load %arg7[%swap3A_210, %swap3A_211] {strides = array<i32>} : memref<2x4096xf32, #tpu.memory_space<vmem>>, vector<16xf32>,
        tpu.vector_store %arg7[%swap3A_210, %swap3A_211], %gather3A_208 {strides = array<i32>} : memref<2x4096xf32, #tpu.memory_space<vmem>>, vector<16xf32>,
        %add3A_213 = arith.constant 80 : i32
        %add3A_214 = arith.addi %mul3A_160, %add3A_213 : i32
        %add3A_215 = arith.constant 8192 : i32
        %add3A_216 = arith.addi %add3A_215, %add3A_214 : i32
        %get3A_217 = arith.index_cast %add3A_216 : i32 to index
        %get3A_218 = tpu.vector_load %arg6[%get3A_217] {strides = array<i32>} : memref<16384xi32, #tpu.memory_space<vmem>>, vector<16xi32>,
        %gather3A_219 = tpu.vector_load_idx %arg5[%get3A_218] : memref<100000xf32, #tpu.memory_space<vmem>>[vector<16xi32>], vector<16xf32>,
        %swap3A_220 = arith.constant 0 : i32
        %swap3A_221 = arith.index_cast %swap3A_220 : i32 to index
        %swap3A_222 = arith.index_cast %add3A_214 : i32 to index
        %swap3A_223 = tpu.vector_load %arg7[%swap3A_221, %swap3A_222] {strides = array<i32>} : memref<2x4096xf32, #tpu.memory_space<vmem>>, vector<16xf32>,
        tpu.vector_store %arg7[%swap3A_221, %swap3A_222], %gather3A_219 {strides = array<i32>} : memref<2x4096xf32, #tpu.memory_space<vmem>>, vector<16xf32>,
        %add3A_224 = arith.constant 96 : i32
        %add3A_225 = arith.addi %mul3A_160, %add3A_224 : i32
        %add3A_226 = arith.constant 8192 : i32
        %add3A_227 = arith.addi %add3A_226, %add3A_225 : i32
        %get3A_228 = arith.index_cast %add3A_227 : i32 to index
        %get3A_229 = tpu.vector_load %arg6[%get3A_228] {strides = array<i32>} : memref<16384xi32, #tpu.memory_space<vmem>>, vector<16xi32>,
        %gather3A_230 = tpu.vector_load_idx %arg5[%get3A_229] : memref<100000xf32, #tpu.memory_space<vmem>>[vector<16xi32>], vector<16xf32>,
        %swap3A_231 = arith.constant 0 : i32
        %swap3A_232 = arith.index_cast %swap3A_231 : i32 to index
        %swap3A_233 = arith.index_cast %add3A_225 : i32 to index
        %swap3A_234 = tpu.vector_load %arg7[%swap3A_232, %swap3A_233] {strides = array<i32>} : memref<2x4096xf32, #tpu.memory_space<vmem>>, vector<16xf32>,
        tpu.vector_store %arg7[%swap3A_232, %swap3A_233], %gather3A_230 {strides = array<i32>} : memref<2x4096xf32, #tpu.memory_space<vmem>>, vector<16xf32>,
        %add3A_235 = arith.constant 112 : i32
        %add3A_236 = arith.addi %mul3A_160, %add3A_235 : i32
        %add3A_237 = arith.constant 8192 : i32
        %add3A_238 = arith.addi %add3A_237, %add3A_236 : i32
        %get3A_239 = arith.index_cast %add3A_238 : i32 to index
        %get3A_240 = tpu.vector_load %arg6[%get3A_239] {strides = array<i32>} : memref<16384xi32, #tpu.memory_space<vmem>>, vector<16xi32>,
        %gather3A_241 = tpu.vector_load_idx %arg5[%get3A_240] : memref<100000xf32, #tpu.memory_space<vmem>>[vector<16xi32>], vector<16xf32>,
        %swap3A_242 = arith.constant 0 : i32
        %swap3A_243 = arith.index_cast %swap3A_242 : i32 to index
        %swap3A_244 = arith.index_cast %add3A_236 : i32 to index
        %swap3A_245 = tpu.vector_load %arg7[%swap3A_243, %swap3A_244] {strides = array<i32>} : memref<2x4096xf32, #tpu.memory_space<vmem>>, vector<16xf32>,
        tpu.vector_store %arg7[%swap3A_243, %swap3A_244], %gather3A_241 {strides = array<i32>} : memref<2x4096xf32, #tpu.memory_space<vmem>>, vector<16xf32>,
      }
      %scan3A_86 = arith.constant 32 : i32
      %dma_start3A_87 = arith.constant 0 : i32
      %dma_start3A_88 = arith.constant 0 : i32
      %dma_start3A_89 = tpu.memref_slice %arg7[%dma_start3A_87, %dma_start3A_88] : memref<2x4096xf32, #tpu.memory_space<vmem>> -> memref<1x4096xf32, #tpu.memory_space<vmem>>
      %dma_start3A_90 = tpu.memref_squeeze %dma_start3A_89 : memref<1x4096xf32, #tpu.memory_space<vmem>> -> memref<4096xf32, #tpu.memory_space<vmem>>
      %dma_start3A_91 = arith.constant 8192 : i32
      %dma_start3A_92 = tpu.memref_slice %arg4[%select_n3A, %rem3A_27, %dma_start3A_91] : memref<26x32x16384xf32, #tpu.memory_space<hbm>> -> memref<1x1x4096xf32, #tpu.memory_space<hbm>>
      %dma_start3A_93 = tpu.memref_squeeze %dma_start3A_92 : memref<1x1x4096xf32, #tpu.memory_space<hbm>> -> memref<4096xf32, #tpu.memory_space<hbm>>
      %dma_start3A_94 = arith.constant 8192 : i32
      %dma_start3A_95 = tpu.memref_slice %arg4[%select_n3A, %rem3A_27, %dma_start3A_94] : memref<26x32x16384xf32, #tpu.memory_space<hbm>> -> memref<1x1x4096xf32, #tpu.memory_space<hbm>>
      %dma_start3A_96 = tpu.memref_squeeze %dma_start3A_95 : memref<1x1x4096xf32, #tpu.memory_space<hbm>> -> memref<4096xf32, #tpu.memory_space<hbm>>
      %dma_start3A_97 = arith.constant 0 : i32
      %dma_start3A_98 = tpu.memref_slice %arg7[%dma_start3A_87, %dma_start3A_97] : memref<2x4096xf32, #tpu.memory_space<vmem>> -> memref<1x4096xf32, #tpu.memory_space<vmem>>
      %dma_start3A_99 = tpu.memref_squeeze %dma_start3A_98 : memref<1x4096xf32, #tpu.memory_space<vmem>> -> memref<4096xf32, #tpu.memory_space<vmem>>
      tpu.enqueue_dma source(%dma_start3A_99 : memref<4096xf32, #tpu.memory_space<vmem>>) target(%dma_start3A_96 : memref<4096xf32, #tpu.memory_space<hbm>>) target_semaphore(%arg8 : memref<!tpu.dma_semaphore, #tpu.memory_space<semaphore_mem>>)
      %dma_wait3A_100 = arith.constant 1 : i32
      %dma_wait3A_101 = arith.constant 0 : i32
      %dma_wait3A_102 = tpu.memref_slice %arg7[%dma_wait3A_100, %dma_wait3A_101] : memref<2x4096xf32, #tpu.memory_space<vmem>> -> memref<1x4096xf32, #tpu.memory_space<vmem>>
      %dma_wait3A_103 = tpu.memref_squeeze %dma_wait3A_102 : memref<1x4096xf32, #tpu.memory_space<vmem>> -> memref<4096xf32, #tpu.memory_space<vmem>>
      %dma_wait3A_104 = arith.constant 4096 : i32
      %dma_wait3A_105 = tpu.memref_slice %arg4[%select_n3A, %rem3A_27, %dma_wait3A_104] : memref<26x32x16384xf32, #tpu.memory_space<hbm>> -> memref<1x1x4096xf32, #tpu.memory_space<hbm>>
      %dma_wait3A_106 = tpu.memref_squeeze %dma_wait3A_105 : memref<1x1x4096xf32, #tpu.memory_space<hbm>> -> memref<4096xf32, #tpu.memory_space<hbm>>
      %dma_wait3A_107 = arith.constant 4096 : i32
      %dma_wait3A_108 = tpu.memref_slice %arg4[%select_n3A, %rem3A_27, %dma_wait3A_107] : memref<26x32x16384xf32, #tpu.memory_space<hbm>> -> memref<1x1x4096xf32, #tpu.memory_space<hbm>>
      %dma_wait3A_109 = tpu.memref_squeeze %dma_wait3A_108 : memref<1x1x4096xf32, #tpu.memory_space<hbm>> -> memref<4096xf32, #tpu.memory_space<hbm>>
      %dma_wait3A_110 = arith.constant 0 : i32
      %dma_wait3A_111 = tpu.memref_slice %arg7[%dma_wait3A_100, %dma_wait3A_110] : memref<2x4096xf32, #tpu.memory_space<vmem>> -> memref<1x4096xf32, #tpu.memory_space<vmem>>
      %dma_wait3A_112 = tpu.memref_squeeze %dma_wait3A_111 : memref<1x4096xf32, #tpu.memory_space<vmem>> -> memref<4096xf32, #tpu.memory_space<vmem>>
      tpu.wait_dma2 semaphore(%arg8 : memref<!tpu.dma_semaphore, #tpu.memory_space<semaphore_mem>>) src(%dma_wait3A_112 : memref<4096xf32, #tpu.memory_space<vmem>>) dst(%dma_wait3A_109 : memref<4096xf32, #tpu.memory_space<hbm>>)
      %scan3A_113 = arith.constant 0 : i32
      %scan3A_114 = arith.constant 0 : i32
      %scan3A_115 = arith.constant 32 : i32
      %scan3A_116 = arith.addi %scan3A_114, %scan3A_115 : i32
      %scan3A_117 = arith.constant 1 : i32
      scf.for %scan3A_158 = %scan3A_114 to %scan3A_116 step %scan3A_117  : i32 {
        %mul3A_159 = arith.constant 128 : i32
        %mul3A_160 = arith.muli %scan3A_158, %mul3A_159 : i32
        %add3A_161 = arith.constant 0 : i32
        %add3A_162 = arith.addi %mul3A_160, %add3A_161 : i32
        %add3A_163 = arith.constant 12288 : i32
        %add3A_164 = arith.addi %add3A_163, %add3A_162 : i32
        %get3A = arith.index_cast %add3A_164 : i32 to index
        %get3A_165 = tpu.vector_load %arg6[%get3A] {strides = array<i32>} : memref<16384xi32, #tpu.memory_space<vmem>>, vector<16xi32>,
        %gather3A = tpu.vector_load_idx %arg5[%get3A_165] : memref<100000xf32, #tpu.memory_space<vmem>>[vector<16xi32>], vector<16xf32>,
        %swap3A = arith.constant 1 : i32
        %swap3A_166 = arith.index_cast %swap3A : i32 to index
        %swap3A_167 = arith.index_cast %add3A_162 : i32 to index
        %swap3A_168 = tpu.vector_load %arg7[%swap3A_166, %swap3A_167] {strides = array<i32>} : memref<2x4096xf32, #tpu.memory_space<vmem>>, vector<16xf32>,
        tpu.vector_store %arg7[%swap3A_166, %swap3A_167], %gather3A {strides = array<i32>} : memref<2x4096xf32, #tpu.memory_space<vmem>>, vector<16xf32>,
        %add3A_169 = arith.constant 16 : i32
        %add3A_170 = arith.addi %mul3A_160, %add3A_169 : i32
        %add3A_171 = arith.constant 12288 : i32
        %add3A_172 = arith.addi %add3A_171, %add3A_170 : i32
        %get3A_173 = arith.index_cast %add3A_172 : i32 to index
        %get3A_174 = tpu.vector_load %arg6[%get3A_173] {strides = array<i32>} : memref<16384xi32, #tpu.memory_space<vmem>>, vector<16xi32>,
        %gather3A_175 = tpu.vector_load_idx %arg5[%get3A_174] : memref<100000xf32, #tpu.memory_space<vmem>>[vector<16xi32>], vector<16xf32>,
        %swap3A_176 = arith.constant 1 : i32
        %swap3A_177 = arith.index_cast %swap3A_176 : i32 to index
        %swap3A_178 = arith.index_cast %add3A_170 : i32 to index
        %swap3A_179 = tpu.vector_load %arg7[%swap3A_177, %swap3A_178] {strides = array<i32>} : memref<2x4096xf32, #tpu.memory_space<vmem>>, vector<16xf32>,
        tpu.vector_store %arg7[%swap3A_177, %swap3A_178], %gather3A_175 {strides = array<i32>} : memref<2x4096xf32, #tpu.memory_space<vmem>>, vector<16xf32>,
        %add3A_180 = arith.constant 32 : i32
        %add3A_181 = arith.addi %mul3A_160, %add3A_180 : i32
        %add3A_182 = arith.constant 12288 : i32
        %add3A_183 = arith.addi %add3A_182, %add3A_181 : i32
        %get3A_184 = arith.index_cast %add3A_183 : i32 to index
        %get3A_185 = tpu.vector_load %arg6[%get3A_184] {strides = array<i32>} : memref<16384xi32, #tpu.memory_space<vmem>>, vector<16xi32>,
        %gather3A_186 = tpu.vector_load_idx %arg5[%get3A_185] : memref<100000xf32, #tpu.memory_space<vmem>>[vector<16xi32>], vector<16xf32>,
        %swap3A_187 = arith.constant 1 : i32
        %swap3A_188 = arith.index_cast %swap3A_187 : i32 to index
        %swap3A_189 = arith.index_cast %add3A_181 : i32 to index
        %swap3A_190 = tpu.vector_load %arg7[%swap3A_188, %swap3A_189] {strides = array<i32>} : memref<2x4096xf32, #tpu.memory_space<vmem>>, vector<16xf32>,
        tpu.vector_store %arg7[%swap3A_188, %swap3A_189], %gather3A_186 {strides = array<i32>} : memref<2x4096xf32, #tpu.memory_space<vmem>>, vector<16xf32>,
        %add3A_191 = arith.constant 48 : i32
        %add3A_192 = arith.addi %mul3A_160, %add3A_191 : i32
        %add3A_193 = arith.constant 12288 : i32
        %add3A_194 = arith.addi %add3A_193, %add3A_192 : i32
        %get3A_195 = arith.index_cast %add3A_194 : i32 to index
        %get3A_196 = tpu.vector_load %arg6[%get3A_195] {strides = array<i32>} : memref<16384xi32, #tpu.memory_space<vmem>>, vector<16xi32>,
        %gather3A_197 = tpu.vector_load_idx %arg5[%get3A_196] : memref<100000xf32, #tpu.memory_space<vmem>>[vector<16xi32>], vector<16xf32>,
        %swap3A_198 = arith.constant 1 : i32
        %swap3A_199 = arith.index_cast %swap3A_198 : i32 to index
        %swap3A_200 = arith.index_cast %add3A_192 : i32 to index
        %swap3A_201 = tpu.vector_load %arg7[%swap3A_199, %swap3A_200] {strides = array<i32>} : memref<2x4096xf32, #tpu.memory_space<vmem>>, vector<16xf32>,
        tpu.vector_store %arg7[%swap3A_199, %swap3A_200], %gather3A_197 {strides = array<i32>} : memref<2x4096xf32, #tpu.memory_space<vmem>>, vector<16xf32>,
        %add3A_202 = arith.constant 64 : i32
        %add3A_203 = arith.addi %mul3A_160, %add3A_202 : i32
        %add3A_204 = arith.constant 12288 : i32
        %add3A_205 = arith.addi %add3A_204, %add3A_203 : i32
        %get3A_206 = arith.index_cast %add3A_205 : i32 to index
        %get3A_207 = tpu.vector_load %arg6[%get3A_206] {strides = array<i32>} : memref<16384xi32, #tpu.memory_space<vmem>>, vector<16xi32>,
        %gather3A_208 = tpu.vector_load_idx %arg5[%get3A_207] : memref<100000xf32, #tpu.memory_space<vmem>>[vector<16xi32>], vector<16xf32>,
        %swap3A_209 = arith.constant 1 : i32
        %swap3A_210 = arith.index_cast %swap3A_209 : i32 to index
        %swap3A_211 = arith.index_cast %add3A_203 : i32 to index
        %swap3A_212 = tpu.vector_load %arg7[%swap3A_210, %swap3A_211] {strides = array<i32>} : memref<2x4096xf32, #tpu.memory_space<vmem>>, vector<16xf32>,
        tpu.vector_store %arg7[%swap3A_210, %swap3A_211], %gather3A_208 {strides = array<i32>} : memref<2x4096xf32, #tpu.memory_space<vmem>>, vector<16xf32>,
        %add3A_213 = arith.constant 80 : i32
        %add3A_214 = arith.addi %mul3A_160, %add3A_213 : i32
        %add3A_215 = arith.constant 12288 : i32
        %add3A_216 = arith.addi %add3A_215, %add3A_214 : i32
        %get3A_217 = arith.index_cast %add3A_216 : i32 to index
        %get3A_218 = tpu.vector_load %arg6[%get3A_217] {strides = array<i32>} : memref<16384xi32, #tpu.memory_space<vmem>>, vector<16xi32>,
        %gather3A_219 = tpu.vector_load_idx %arg5[%get3A_218] : memref<100000xf32, #tpu.memory_space<vmem>>[vector<16xi32>], vector<16xf32>,
        %swap3A_220 = arith.constant 1 : i32
        %swap3A_221 = arith.index_cast %swap3A_220 : i32 to index
        %swap3A_222 = arith.index_cast %add3A_214 : i32 to index
        %swap3A_223 = tpu.vector_load %arg7[%swap3A_221, %swap3A_222] {strides = array<i32>} : memref<2x4096xf32, #tpu.memory_space<vmem>>, vector<16xf32>,
        tpu.vector_store %arg7[%swap3A_221, %swap3A_222], %gather3A_219 {strides = array<i32>} : memref<2x4096xf32, #tpu.memory_space<vmem>>, vector<16xf32>,
        %add3A_224 = arith.constant 96 : i32
        %add3A_225 = arith.addi %mul3A_160, %add3A_224 : i32
        %add3A_226 = arith.constant 12288 : i32
        %add3A_227 = arith.addi %add3A_226, %add3A_225 : i32
        %get3A_228 = arith.index_cast %add3A_227 : i32 to index
        %get3A_229 = tpu.vector_load %arg6[%get3A_228] {strides = array<i32>} : memref<16384xi32, #tpu.memory_space<vmem>>, vector<16xi32>,
        %gather3A_230 = tpu.vector_load_idx %arg5[%get3A_229] : memref<100000xf32, #tpu.memory_space<vmem>>[vector<16xi32>], vector<16xf32>,
        %swap3A_231 = arith.constant 1 : i32
        %swap3A_232 = arith.index_cast %swap3A_231 : i32 to index
        %swap3A_233 = arith.index_cast %add3A_225 : i32 to index
        %swap3A_234 = tpu.vector_load %arg7[%swap3A_232, %swap3A_233] {strides = array<i32>} : memref<2x4096xf32, #tpu.memory_space<vmem>>, vector<16xf32>,
        tpu.vector_store %arg7[%swap3A_232, %swap3A_233], %gather3A_230 {strides = array<i32>} : memref<2x4096xf32, #tpu.memory_space<vmem>>, vector<16xf32>,
        %add3A_235 = arith.constant 112 : i32
        %add3A_236 = arith.addi %mul3A_160, %add3A_235 : i32
        %add3A_237 = arith.constant 12288 : i32
        %add3A_238 = arith.addi %add3A_237, %add3A_236 : i32
        %get3A_239 = arith.index_cast %add3A_238 : i32 to index
        %get3A_240 = tpu.vector_load %arg6[%get3A_239] {strides = array<i32>} : memref<16384xi32, #tpu.memory_space<vmem>>, vector<16xi32>,
        %gather3A_241 = tpu.vector_load_idx %arg5[%get3A_240] : memref<100000xf32, #tpu.memory_space<vmem>>[vector<16xi32>], vector<16xf32>,
        %swap3A_242 = arith.constant 1 : i32
        %swap3A_243 = arith.index_cast %swap3A_242 : i32 to index
        %swap3A_244 = arith.index_cast %add3A_236 : i32 to index
        %swap3A_245 = tpu.vector_load %arg7[%swap3A_243, %swap3A_244] {strides = array<i32>} : memref<2x4096xf32, #tpu.memory_space<vmem>>, vector<16xf32>,
        tpu.vector_store %arg7[%swap3A_243, %swap3A_244], %gather3A_241 {strides = array<i32>} : memref<2x4096xf32, #tpu.memory_space<vmem>>, vector<16xf32>,
      }
      %scan3A_118 = arith.constant 32 : i32
      %dma_start3A_119 = arith.constant 1 : i32
      %dma_start3A_120 = arith.constant 0 : i32
      %dma_start3A_121 = tpu.memref_slice %arg7[%dma_start3A_119, %dma_start3A_120] : memref<2x4096xf32, #tpu.memory_space<vmem>> -> memref<1x4096xf32, #tpu.memory_space<vmem>>
      %dma_start3A_122 = tpu.memref_squeeze %dma_start3A_121 : memref<1x4096xf32, #tpu.memory_space<vmem>> -> memref<4096xf32, #tpu.memory_space<vmem>>
      %dma_start3A_123 = arith.constant 12288 : i32
      %dma_start3A_124 = tpu.memref_slice %arg4[%select_n3A, %rem3A_27, %dma_start3A_123] : memref<26x32x16384xf32, #tpu.memory_space<hbm>> -> memref<1x1x4096xf32, #tpu.memory_space<hbm>>
      %dma_start3A_125 = tpu.memref_squeeze %dma_start3A_124 : memref<1x1x4096xf32, #tpu.memory_space<hbm>> -> memref<4096xf32, #tpu.memory_space<hbm>>
      %dma_start3A_126 = arith.constant 12288 : i32
      %dma_start3A_127 = tpu.memref_slice %arg4[%select_n3A, %rem3A_27, %dma_start3A_126] : memref<26x32x16384xf32, #tpu.memory_space<hbm>> -> memref<1x1x4096xf32, #tpu.memory_space<hbm>>
      %dma_start3A_128 = tpu.memref_squeeze %dma_start3A_127 : memref<1x1x4096xf32, #tpu.memory_space<hbm>> -> memref<4096xf32, #tpu.memory_space<hbm>>
      %dma_start3A_129 = arith.constant 0 : i32
      %dma_start3A_130 = tpu.memref_slice %arg7[%dma_start3A_119, %dma_start3A_129] : memref<2x4096xf32, #tpu.memory_space<vmem>> -> memref<1x4096xf32, #tpu.memory_space<vmem>>
      %dma_start3A_131 = tpu.memref_squeeze %dma_start3A_130 : memref<1x4096xf32, #tpu.memory_space<vmem>> -> memref<4096xf32, #tpu.memory_space<vmem>>
      tpu.enqueue_dma source(%dma_start3A_131 : memref<4096xf32, #tpu.memory_space<vmem>>) target(%dma_start3A_128 : memref<4096xf32, #tpu.memory_space<hbm>>) target_semaphore(%arg8 : memref<!tpu.dma_semaphore, #tpu.memory_space<semaphore_mem>>)
      %dma_wait3A_132 = arith.constant 0 : i32
      %dma_wait3A_133 = arith.constant 0 : i32
      %dma_wait3A_134 = tpu.memref_slice %arg7[%dma_wait3A_132, %dma_wait3A_133] : memref<2x4096xf32, #tpu.memory_space<vmem>> -> memref<1x4096xf32, #tpu.memory_space<vmem>>
      %dma_wait3A_135 = tpu.memref_squeeze %dma_wait3A_134 : memref<1x4096xf32, #tpu.memory_space<vmem>> -> memref<4096xf32, #tpu.memory_space<vmem>>
      %dma_wait3A_136 = arith.constant 8192 : i32
      %dma_wait3A_137 = tpu.memref_slice %arg4[%select_n3A, %rem3A_27, %dma_wait3A_136] : memref<26x32x16384xf32, #tpu.memory_space<hbm>> -> memref<1x1x4096xf32, #tpu.memory_space<hbm>>
      %dma_wait3A_138 = tpu.memref_squeeze %dma_wait3A_137 : memref<1x1x4096xf32, #tpu.memory_space<hbm>> -> memref<4096xf32, #tpu.memory_space<hbm>>
      %dma_wait3A_139 = arith.constant 8192 : i32
      %dma_wait3A_140 = tpu.memref_slice %arg4[%select_n3A, %rem3A_27, %dma_wait3A_139] : memref<26x32x16384xf32, #tpu.memory_space<hbm>> -> memref<1x1x4096xf32, #tpu.memory_space<hbm>>
      %dma_wait3A_141 = tpu.memref_squeeze %dma_wait3A_140 : memref<1x1x4096xf32, #tpu.memory_space<hbm>> -> memref<4096xf32, #tpu.memory_space<hbm>>
      %dma_wait3A_142 = arith.constant 0 : i32
      %dma_wait3A_143 = tpu.memref_slice %arg7[%dma_wait3A_132, %dma_wait3A_142] : memref<2x4096xf32, #tpu.memory_space<vmem>> -> memref<1x4096xf32, #tpu.memory_space<vmem>>
      %dma_wait3A_144 = tpu.memref_squeeze %dma_wait3A_143 : memref<1x4096xf32, #tpu.memory_space<vmem>> -> memref<4096xf32, #tpu.memory_space<vmem>>
      tpu.wait_dma2 semaphore(%arg8 : memref<!tpu.dma_semaphore, #tpu.memory_space<semaphore_mem>>) src(%dma_wait3A_144 : memref<4096xf32, #tpu.memory_space<vmem>>) dst(%dma_wait3A_141 : memref<4096xf32, #tpu.memory_space<hbm>>)
      %dma_wait3A_145 = arith.constant 1 : i32
      %dma_wait3A_146 = arith.constant 0 : i32
      %dma_wait3A_147 = tpu.memref_slice %arg7[%dma_wait3A_145, %dma_wait3A_146] : memref<2x4096xf32, #tpu.memory_space<vmem>> -> memref<1x4096xf32, #tpu.memory_space<vmem>>
      %dma_wait3A_148 = tpu.memref_squeeze %dma_wait3A_147 : memref<1x4096xf32, #tpu.memory_space<vmem>> -> memref<4096xf32, #tpu.memory_space<vmem>>
      %dma_wait3A_149 = arith.constant 12288 : i32
      %dma_wait3A_150 = tpu.memref_slice %arg4[%select_n3A, %rem3A_27, %dma_wait3A_149] : memref<26x32x16384xf32, #tpu.memory_space<hbm>> -> memref<1x1x4096xf32, #tpu.memory_space<hbm>>
      %dma_wait3A_151 = tpu.memref_squeeze %dma_wait3A_150 : memref<1x1x4096xf32, #tpu.memory_space<hbm>> -> memref<4096xf32, #tpu.memory_space<hbm>>
      %dma_wait3A_152 = arith.constant 12288 : i32
      %dma_wait3A_153 = tpu.memref_slice %arg4[%select_n3A, %rem3A_27, %dma_wait3A_152] : memref<26x32x16384xf32, #tpu.memory_space<hbm>> -> memref<1x1x4096xf32, #tpu.memory_space<hbm>>
      %dma_wait3A_154 = tpu.memref_squeeze %dma_wait3A_153 : memref<1x1x4096xf32, #tpu.memory_space<hbm>> -> memref<4096xf32, #tpu.memory_space<hbm>>
      %dma_wait3A_155 = arith.constant 0 : i32
      %dma_wait3A_156 = tpu.memref_slice %arg7[%dma_wait3A_145, %dma_wait3A_155] : memref<2x4096xf32, #tpu.memory_space<vmem>> -> memref<1x4096xf32, #tpu.memory_space<vmem>>
      %dma_wait3A_157 = tpu.memref_squeeze %dma_wait3A_156 : memref<1x4096xf32, #tpu.memory_space<vmem>> -> memref<4096xf32, #tpu.memory_space<vmem>>
      tpu.wait_dma2 semaphore(%arg8 : memref<!tpu.dma_semaphore, #tpu.memory_space<semaphore_mem>>) src(%dma_wait3A_157 : memref<4096xf32, #tpu.memory_space<vmem>>) dst(%dma_wait3A_154 : memref<4096xf32, #tpu.memory_space<hbm>>)
    }
    %scan3A_7 = arith.constant 26 : i32
    return
  }
}

</mosaic_0001>

<sc_bundles>
// kernel: kernel.3.cloned.1.call-start
scs
__scs_entry_jumppad:
0x0: {  	(pc) =	sbr.rel $0x88, $3  }
0x1: {  	(tag) =	ssettag $0x0;
	lr =	simm.s32 $0x1  }
0x2: {  	[smem:$0x3F9F] =	sst lr;
	_ =	strace $0xD0000000  }
0x3: {  	_ = 	snop  }
0x4: {  	_ = 	snop  }
0x5: {  	_ = 	snop  }
0x6: {  	_ = 	snop  }
0x7: {  	_ = 	snop  }
__scs_overlays_trampoline_lowered:
0x8: {  	[smem:$0x3FAE] =	sst s0  }
0x9: {  	[smem:$0x3FAF] =	sst s1  }
0xa: {  	[smem:$0x3FB0] =	sst s2  }
0xb: {  	[smem:$0x3FB1] =	sst s3  }
0xc: {  	[smem:$0x3FB2] =	sst s4  }
0xd: {  	[smem:$0x3FB3] =	sst s5  }
0xe: {  	[smem:$0x3FB4] =	sst s6  }
0xf: {  	[smem:$0x3FB5] =	sst s7  }
0x10: {  	[smem:$0x3FB6] =	sst s8  }
0x11: {  	[smem:$0x3FB7] =	sst s9;
	s0 =	simm.s32 @!p0 $0x0  }
0x12: {  	s1 =	sld [smem:$0x3F9D];
	s0 =	simm.s32 @p0 $0x1  }
0x13: {  	[smem:$0x3FB8] =	sst s0;
	s0 =	simm.s32 @!p1 $0x0  }
0x14: {  	s2 =	sld [smem:$0x3F9C];
	s0 =	simm.s32 @p1 $0x1  }
0x15: {  	[smem:$0x3FB9] =	sst s0;
	s0 =	simm.s32 @!p2 $0x0  }
0x16: {  	s3 =	sld [smem:$0x3FDB];
	s0 =	simm.s32 @p2 $0x1  }
0x17: {  	s4 =	simm.s32 $0x1BF5;
	[smem:$0x3FBB] =	sst s0  }
0x18: {  	s0 =	sld [smem:$0x3F9E];
	_ =	swait.ge [sflag:s4], $0x0  }
0x19: {  	s7 =	sld [smem:$0x3F9F]  }
0x1a: {  	s8 =	sadd.s32 $0xFFFFE003, lr  }
0x1b: {  	s9 =	sadd.s32 $0xFFFFFEF7, lr;
	s5 =	simm.s32 $0xFFFFFFFF;
	p2 =	slt.u32 s8, $0xFFFFF086  }
0x1c: {  	p1 =	slt.u32 s9, $0xF7A;
	s5 =	simm.s32 @!p2 $0x0  }
0x1d: {  	s5 =	simm.s32 @p1 $0x1;
	p0 =	seq.s32 s7, s2  }
0x1e: {  	s7 =	smul.u32 @!p0 $0xF7A, s2;
	p2 =	seq.s32 @!p0 s5, $0x0  }
0x1f: {  	s9 =	smul.u32 $0xF7A, s1;
	s8 =	simm.s32 @!p0 $0x1BF5;
	p2 =	por !p2, p0  }
0x20: {  	[sflag:s8] =	ssyncset.s32 @!p0 $0xFFFFF086;
	s6 =	sadd.s32 @!p0 s3, s7;
	s7 =	simm.s32 @!p0 $0x108  }
0x21: {  	s3 =	sadd.s32 s3, s9;
	s6 =	sadd.s32 @!p0 $0x88, s6;
	s7 =	simm.s32 @p2 $0x1082  }
0x22: {  	[simem:s7], [sflag:s8] =	dma.local @!p0 [hbm:s6], $0xF7A  }
0x23: {  	s9 =	sor.u32 $0xD0000000, s2;
	s6 =	simm.s32 $0x108;
	_ =	swait.ge @!p0 [sflag:s8], $0x0  }
0x24: {  	s3 =	sadd.s32 $0x88, s3;
	s6 =	simm.s32 @!p1 $0x1082;
	[sflag:s4] =	ssyncset.s32 $0xFFFFF086  }
0x25: {  	[simem:s6], [sflag:s4] =	dma.local [hbm:s3], $0xF7A  }
0x26: {  	[smem:$0x3F9F] =	sst s1;
	(tag) =	ssettag s2;
	_ =	strace s9  }
0x27: {  	s1 =	sld [smem:$0x3FAF]  }
0x28: {  	s2 =	sld [smem:$0x3FB0]  }
0x29: {  	s4 =	sld [smem:$0x3FB2]  }
0x2a: {  	p0 =	seq.s32 s5, $0x0;
	s5 =	sld [smem:$0x3FB3]  }
0x2b: {  	s6 =	sld [smem:$0x3FB4]  }
0x2c: {  	s7 =	sld [smem:$0x3FB5]  }
0x2d: {  	s3 =	simm.s32 $0x108;
	s8 =	sld [smem:$0x3FB6]  }
0x2e: {  	s3 =	simm.s32 @!p0 $0x1082;
	s9 =	sld [smem:$0x3FB7]  }
0x2f: {  	lr =	sadd.s32 s0, s3;
	s0 =	sld [smem:$0x3FAE]  }
0x30: {  	s3 =	sld [smem:$0x3FB1]  }
0x31: {  	[smem:$0x3FBA] =	sst s10  }
0x32: {  	s10 =	sld [smem:$0x3FB8];
	_ =	sdelay $0x3  }
0x33: {  	p0 =	seq.s32 s10, $0x1;
	s10 =	sld [smem:$0x3FBA];
	_ =	sdelay $0x3  }
0x34: {  	[smem:$0x3FBA] =	sst s10  }
0x35: {  	s10 =	sld [smem:$0x3FB9];
	_ =	sdelay $0x3  }
0x36: {  	p1 =	seq.s32 s10, $0x1;
	s10 =	sld [smem:$0x3FBA];
	_ =	sdelay $0x3  }
0x37: {  	[smem:$0x3FBA] =	sst s10  }
0x38: {  	s10 =	sld [smem:$0x3FBB]  }
0x39: {  	_ = 	snop;
	(pc) =	sbr.ind lr, $3  }
0x3a: {  	_ = 	snop  }
0x3b: {  	_ = 	snop  }
0x3c: {  	p2 =	seq.s32 s10, $0x1;
	s10 =	sld [smem:$0x3FBA]  }
0x3d: {  	_ =	shalt  }
0x3e: {  	_ =	shalt  }
0x3f: {  	_ =	shalt  }
0x40: {  	_ =	shalt  }
0x41: {  	_ =	shalt  }
0x42: {  	_ =	shalt  }
0x43: {  	_ =	shalt  }
0x44: {  	_ =	shalt  }
0x45: {  	_ =	shalt  }
0x46: {  	_ =	shalt  }
0x47: {  	_ =	shalt  }
0x48: {  	_ =	shalt  }
0x49: {  	_ =	shalt  }
0x4a: {  	_ =	shalt  }
0x4b: {  	_ =	shalt  }
0x4c: {  	_ =	shalt  }
0x4d: {  	_ =	shalt  }
0x4e: {  	_ =	shalt  }
0x4f: {  	_ =	shalt  }
0x50: {  	_ =	shalt  }
0x51: {  	_ =	shalt  }
0x52: {  	_ =	shalt  }
0x53: {  	_ =	shalt  }
0x54: {  	_ =	shalt  }
0x55: {  	_ =	shalt  }
0x56: {  	_ =	shalt  }
0x57: {  	_ =	shalt  }
0x58: {  	_ =	shalt  }
0x59: {  	_ =	shalt  }
0x5a: {  	_ =	shalt  }
0x5b: {  	_ =	shalt  }
0x5c: {  	_ =	shalt  }
0x5d: {  	_ =	shalt  }
0x5e: {  	_ =	shalt  }
0x5f: {  	_ =	shalt  }
0x60: {  	_ =	shalt  }
0x61: {  	_ =	shalt  }
0x62: {  	_ =	shalt  }
0x63: {  	_ =	shalt  }
0x64: {  	_ =	shalt  }
0x65: {  	_ =	shalt  }
0x66: {  	_ =	shalt  }
0x67: {  	_ =	shalt  }
0x68: {  	_ =	shalt  }
0x69: {  	_ =	shalt  }
0x6a: {  	_ =	shalt  }
0x6b: {  	_ =	shalt  }
0x6c: {  	_ =	shalt  }
0x6d: {  	_ =	shalt  }
0x6e: {  	_ =	shalt  }
0x6f: {  	_ =	shalt  }
0x70: {  	_ =	shalt  }
0x71: {  	_ =	shalt  }
0x72: {  	_ =	shalt  }
0x73: {  	_ =	shalt  }
0x74: {  	_ =	shalt  }
0x75: {  	_ =	shalt  }
0x76: {  	_ =	shalt  }
0x77: {  	_ =	shalt  }
0x78: {  	_ =	shalt  }
0x79: {  	_ =	shalt  }
0x7a: {  	_ =	shalt  }
0x7b: {  	_ =	shalt  }
0x7c: {  	_ =	shalt  }
0x7d: {  	_ =	shalt  }
0x7e: {  	_ =	shalt  }
0x7f: {  	_ =	shalt  }
0x80: {  	_ =	shalt  }
0x81: {  	_ =	shalt  }
0x82: {  	_ =	shalt  }
0x83: {  	_ =	shalt  }
0x84: {  	_ =	shalt  }
0x85: {  	_ =	shalt  }
0x86: {  	_ =	shalt  }
0x87: {  	_ =	shalt  }
.Lfunc_end0:
.L_simem_size_0:
called_computation_lowered:
.L_overlay_start_0:
0x88: {  	s2 =	sld [smem:$0x3FD9]  }
0x89: {  	s3 =	sld [smem:$0x3FFE];
	_ =	sdelay $0x1  }
0x8a: {  	s1 =	srdreg.scid  }
0x8b: {  	s0 =	sand.u32 $0x1, s1  }
0x8c: {  	s18 =	sshll.u32 s0, $0xA;
	s2 =	sadd.s32 s3, s2  }
0x8d: {  	s2 =	sadd.s32 s2, s18  }
0x8e: {  	[smem:$0x3FC6] =	sst s2  }
0x8f: {  	_ = 	snop  }
0x90: {  	s2 =	sld [smem:$0x3FC9]  }
0x91: {  	s19 =	sld [smem:$0x3FC8]  }
0x92: {  	s4 =	sld [smem:$0x3FD0];
	(tm) =	ssettm $0x1  }
0x93: {  	s5 =	sld [smem:$0x3FFB];
	_ =	sdelay $0x3  }
0x94: {  	_ =	strace s5  }
0x95: {  	s5 =	sld [smem:$0x3FFC];
	_ =	sdelay $0x3  }
0x96: {  	_ =	strace s5  }
0x97: {  	s5 =	sld [smem:$0x3FFD];
	_ =	sdelay $0x3  }
0x98: {  	_ =	strace s5  }
0x99: {  	_ =	strace $0x8FFFFFFF  }
0x9a: {  	s20 =	sld [smem:$0x3FDB];
	_ =	sdelay $0x1  }
0x9b: {  	s6 =	simm.s32 $_scs_section_size  }
0x9c: {  	s7 =	simm.s32 $_size__tile_overlayer_lowered;
	s8 =	simm.s32 $_tile_overlayer_lowered  }
0x9d: {  	s23 =	simm.s32 $0x1BFF;
	s22 =	sshll.u32 s8, $0x1;
	s5 =	sadd.s32 s6, s20  }
0x9e: {  	s9 =	simm.s32 $0x0;
	s21 =	sshll.u32 s7, $0x1;
	s7 =	sadd.s32 s22, s5  }
0x9f: {  	[timem:s9], [sflag:s23] =	dma.local [hbm:s7], s21  }
0xa0: {  	_ =	swait.ge [sflag:s23], s21  }
0xa1: {  	s6 =	ssub.s32 $0x0, s21;
	[sflag:s23] =	ssyncset.done $0x0  }
0xa2: {  	[sflag:s23] =	ssyncadd.s32 s6;
	_ =	sdelay $0x1  }
0xa3: {  	s24 =	simm.s32 $0x1B8B  }
0xa4: {  	_ =	swait.ge [sflag:s24], $0x1  }
0xa5: {  	[sflag:s24] =	ssyncset.done $0x0  }
0xa6: {  	s25 =	simm.s32 $0x1B8E;
	[sflag:s24] =	ssyncadd.s32 $0xFFFFFFFF  }
0xa7: {  	s26 =	simm.s32 $execute0_lowered;
	[smem:$0x3FD2] =	sst s25  }
0xa8: {  	s6 =	sshll.u32 s26, $0x1;
	_ =	strace $0x80000046;
	[dreg:$0x1] =	wrdreg $0xFFFFFFFF  }
0xa9: {  	s28 =	simm.s32 $_size_execute0_lowered;
	s5 =	sadd.s32 s5, s6;
	[dreg:$0x0] =	wrdreg $0x0  }
0xaa: {  	s6 =	sshll.u32 s28, $0x1;
	[dreg:$0x2] =	wrdreg s5  }
0xab: {  	[dreg:$0x3] =	wrdreg s6  }
0xac: {  	[dreg:$0x4] =	wrdreg $0xC0  }
0xad: {  	_ =	task [dreg:s9], $0x5FFFF  }
0xae: {  	[dreg:$0x1] =	wrdreg $0xFFFFFFFF  }
0xaf: {  	[dreg:$0x0] =	wrdreg $0x60  }
0xb0: {  	[dreg:$0x2] =	wrdreg s2  }
0xb1: {  	[dreg:$0x3] =	wrdreg s19  }
0xb2: {  	[dreg:$0x4] =	wrdreg s4  }
0xb3: {  	[dreg:$0x5] =	wrdreg $0x9  }
0xb4: {  	_ =	task.clear_ibuf [dreg:s9], $0x6FFFF;
	_ =	strace $0x90000046  }
0xb5: {  	s29 =	simm.s32 $0x9;
	_ =	strace $0x80000048  }
0xb6: {  	_ =	swait.ge [sflag:s29], $0x1  }
0xb7: {  	[sflag:s29] =	ssyncadd.s32 $0xFFFFFFFF  }
0xb8: {  	_ =	strace $0x90000048  }
0xb9: {  	_ =	sfence  }
0xba: {  	s30 =	sld [smem:$0x0];
	_ =	sdelay $0x2  }
0xbb: {  	s31 =	sshll.u32 s1, $0xD;
	s1 =	sshrl.u32 s1, $0x2  }
0xbc: {  	s3 =	sand.u32 $0x4000, s31;
	s1 =	sadd.s32 s1, s30  }
0xbd: {  	s0 =	sor.u32 s3, s0;
	s1 =	sshll.u32 s1, $0x11  }
0xbe: {  	s0 =	sor.u32 s1, s0  }
0xbf: {  	s0 =	sadd.s32 $0x8F2B, s0  }
0xc0: {  	[sflag:s0] =	ssyncadd.remote.s32 $0x1  }
0xc1: {  	_ =	sfence.sel $0xFFFF  }
0xc2: {  	[dreg:$0x0] =	wrdreg $0xFFFFFFFF;
	(pc) =	sbr.abs _section_cstart, $3  }
0xc3: {  	[dreg:$0x1] =	wrdreg $0xFFFFFFFF  }
0xc4: {  	_ =	task.clear_ibuf [dreg:s9], $0x2FFFF;
	_ =	strace $0x9FFFFFFF  }
0xc5: {  	(tm) =	ssettm $0x7FFFFFFF  }
tec
execute0_lowered:
.L_overlay_start_1:
0x0: {  	(tag) =	ssettag $0x1  }
0x1: {  	s1 =	rddreg [dreg:$0x0]  }
0x2: {  	s2 =	rddreg [dreg:$0x1]  }
0x3: {  	s4 =	rddreg [dreg:$0x2]  }
0x4: {  	s0 =	rddreg [dreg:$0x3];
	s6 =	srdreg.scid  }
0x5: {  	s5 =	simm.s32 $0x0;
	s3 =	stileid.u32;
	s11 =	simm.s32 $0x80  }
0x6: {  	s12 =	simm.s32 $0x400;
	s13 =	simm.s32 $0x18700;
	s14 =	simm.s32 $0x2  }
0x7: {  	s15 =	simm.s32 $0x1;
	s16 =	simm.s32 $0x0;
	s6 =	sand.u32 $0x1, s6  }
0x8: {  	[smem:$0x7FF] =	sst s5;
	s8 =	sshll.u32 s3, $0x1;
	s7 =	ssub.s32 $0x2, s6  }
0x9: {  	_ =	strace $0x80000047;
	s6 =	sor.u32 s6, s8;
	s9 =	sshrl.u32 s7, $0x1  }
0xa: {  	s8 =	sadd.s32 $0x2000, s4;
	s6 =	smul.u32 $0x1A, s6;
	s10 =	ssub.s32 s7, s9  }
0xb: {  	s7 =	sadd.s32 $0x1000, s4;
	s9 =	sadd.s32 $0x3000, s4;
	s10 =	smax.u32 s10, $0x1  }
.LBB2_1:
0xc: {  	s17 =	simm.s32 $0x0  }
.LBB2_2:
0xd: {  	s18 =	sadd.s32 s6, s17  }
0xe: {  	p0 =	seq.s32 s17, $0x0;
	s20 =	sand.u32 $0x1F, s18  }
0xf: {  	p1 =	sne.s32 @!p0 s20, $0x0  }
0x10: {  	s18 =	sshrl.u32 s18, $0x5;
	p0 =	por p0, !p1  }
0x11: {  	s19 =	sshll.u32 @p0 s18, $0x4  }
0x12: {  	s21 =	sshll.u32 @p0 s18, $0xB;
	s19 =	sand.u32 @p0 $0x70, s19  }
0x13: {  	s21 =	sand.u32 @p0 $0xFFFC000, s21;
	s19 =	sadd.s32 @p0 s1, s19  }
0x14: {  	s19 =	sadd.s32 @p0 s21, s19  }
0x15: {  	[tilespmem:s13], [sflag:$0x2] =	stream.strided.gather @p0 [hbm4b:s19+s11], $0x4000, s12, s11, $0x38;
	[tilespmem:$0x1E700] =	vst v63  }
0x16: {  	s30 =	smul.u32 $0x30E000, s18;
	s19 =	sshrl.u32 s20, $0x3  }
0x17: {  	s22 =	smul.u32 $0xC3800, s19  }
0x18: {  	s20 =	sshll.u32 s20, $0x7  }
0x19: {  	s20 =	sand.u32 $0x380, s20;
	s21 =	sadd.s32 s30, s22  }
0x1a: {  	_ =	swait.ge @p0 [sflag:s14], $0x4000;
	s21 =	sor.u32 s20, s21  }
0x1b: {  	[sflag:s14] =	ssyncset.done @p0 $0x0;
	s21 =	sshrl.u32 s21, $0x3  }
0x1c: {  	[sflag:s14] =	ssyncadd.s32 @p0 $0xFFFFC000;
	s31 =	sadd.s32 s2, s21;
	s21 =	simm.s32 $0x0  }
0x1d: {  	[tilespmem:s21], [sflag:$0x2] =	stream.strided.gather [hbm4b:s31+s11], $0x18700, s12, s11, $0x38;
	[tilespmem:$0x1E700] =	vst v63  }
0x1e: {  	_ =	swait.ge [sflag:s14], $0x18700  }
0x1f: {  	[sflag:s14] =	ssyncset.done $0x0  }
0x20: {  	s22 =	simm.s32 $0x18740;
	[sflag:s14] =	ssyncadd.s32 $0xFFFE7900  }
.LBB2_3:
0x21: {  	v0 =	vld [tilespmem:s22+$0xFFFFFFC0];
	_ =	sdelay $0x7  }
0x22: {  	v0 =	vld.idx.msk [tilespmem:v0+s5+$0x0], $0xffff;
	_ =	sdelay $0x3  }
0x23: {  	s23 =	sshra.s32 s21, $0x2  }
0x24: {  	[tilespmem:s23+$0x1C700] =	vst v0  }
0x25: {  	v0 =	vld [tilespmem:s22+$0xFFFFFFD0];
	_ =	sdelay $0x7  }
0x26: {  	v0 =	vld.idx.msk [tilespmem:v0+s5+$0x0], $0xffff;
	_ =	sdelay $0x4  }
0x27: {  	[tilespmem:s23+$0x1C710] =	vst v0  }
0x28: {  	v0 =	vld [tilespmem:s22+$0xFFFFFFE0];
	_ =	sdelay $0x7  }
0x29: {  	v0 =	vld.idx.msk [tilespmem:v0+s5+$0x0], $0xffff;
	_ =	sdelay $0x4  }
0x2a: {  	[tilespmem:s23+$0x1C720] =	vst v0  }
0x2b: {  	v0 =	vld [tilespmem:s22+$0xFFFFFFF0];
	_ =	sdelay $0x7  }
0x2c: {  	v0 =	vld.idx.msk [tilespmem:v0+s5+$0x0], $0xffff;
	_ =	sdelay $0x4  }
0x2d: {  	[tilespmem:s23+$0x1C730] =	vst v0  }
0x2e: {  	v0 =	vld [tilespmem:s22+$0x0];
	_ =	sdelay $0x7  }
0x2f: {  	v0 =	vld.idx.msk [tilespmem:v0+s5+$0x0], $0xffff;
	_ =	sdelay $0x4  }
0x30: {  	[tilespmem:s23+$0x1C740] =	vst v0  }
0x31: {  	v0 =	vld [tilespmem:s22+$0x10];
	_ =	sdelay $0x7  }
0x32: {  	v0 =	vld.idx.msk [tilespmem:v0+s5+$0x0], $0xffff;
	_ =	sdelay $0x4  }
0x33: {  	[tilespmem:s23+$0x1C750] =	vst v0  }
0x34: {  	v0 =	vld [tilespmem:s22+$0x20];
	_ =	sdelay $0x7  }
0x35: {  	v0 =	vld.idx.msk [tilespmem:v0+s5+$0x0], $0xffff;
	_ =	sdelay $0x4  }
0x36: {  	[tilespmem:s23+$0x1C760] =	vst v0  }
0x37: {  	v0 =	vld [tilespmem:s22+$0x30];
	_ =	sdelay $0x7  }
0x38: {  	p0 =	sne.s32 s21, $0x7C00;
	v0 =	vld.idx.msk [tilespmem:v0+s5+$0x0], $0xffff  }
.Ltmp0:
0x39: {  	_ = 	snop;
	(pc) =	sbr.rel @p0 .LBB2_3-.Ltmp0, $2  }
0x3a: {  	_ =	sdelay $0x2  }
0x3b: {  	s21 =	sadd.s32 $0x400, s21;
	s22 =	sadd.s32 $0x80, s22;
	[tilespmem:s23+$0x1C770] =	vst v0  }
0x3c: {  	s18 =	sshll.u32 s18, $0x13;
	s19 =	sshll.u32 s19, $0x11  }
0x3d: {  	s18 =	sor.u32 s18, s19  }
0x3e: {  	s18 =	sor.u32 s20, s18  }
0x3f: {  	s21 =	simm.s32 $0x1C700;
	s18 =	sshrl.u32 s18, $0x3  }
0x40: {  	s22 =	simm.s32 $0x0;
	s19 =	simm.s32 $0x0;
	s20 =	sadd.s32 s4, s18  }
.LBB2_5:
0x41: {  	p0 =	sne.s32 s22, $0xF80  }
.Ltmp1:
0x42: {  	_ = 	snop;
	(pc) =	sbr.rel @p0 .LBB2_5-.Ltmp1, $4  }
0x43: {  	_ = 	snop  }
0x44: {  	s23 =	sadd.s32 s22, s20  }
0x45: {  	[hbm4b:s23+s19] =	stream.linear.scatter [tilespmem:s21], [sflag:$0x1], $0x80, $0x38;
	[tilespmem:$0x1E700] =	vst v63  }
0x46: {  	s22 =	sadd.s32 $0x80, s22;
	s21 =	sadd.s32 $0x100, s21  }
0x47: {  	s20 =	simm.s32 $0x1C7F0  }
.LBB2_7:
0x48: {  	s21 =	sshra.s32 s19, $0x2  }
0x49: {  	v0 =	vld [tilespmem:s21+$0x19700];
	_ =	sdelay $0x7  }
0x4a: {  	v0 =	vld.idx.msk [tilespmem:v0+s5+$0x0], $0xffff;
	_ =	sdelay $0x4  }
0x4b: {  	[tilespmem:s20+$0xFFFFFF90] =	vst v0  }
0x4c: {  	v0 =	vld [tilespmem:s21+$0x19710];
	_ =	sdelay $0x7  }
0x4d: {  	v0 =	vld.idx.msk [tilespmem:v0+s5+$0x0], $0xffff;
	_ =	sdelay $0x4  }
0x4e: {  	[tilespmem:s20+$0xFFFFFFA0] =	vst v0  }
0x4f: {  	v0 =	vld [tilespmem:s21+$0x19720];
	_ =	sdelay $0x7  }
0x50: {  	v0 =	vld.idx.msk [tilespmem:v0+s5+$0x0], $0xffff;
	_ =	sdelay $0x4  }
0x51: {  	[tilespmem:s20+$0xFFFFFFB0] =	vst v0  }
0x52: {  	v0 =	vld [tilespmem:s21+$0x19730];
	_ =	sdelay $0x7  }
0x53: {  	v0 =	vld.idx.msk [tilespmem:v0+s5+$0x0], $0xffff;
	_ =	sdelay $0x4  }
0x54: {  	[tilespmem:s20+$0xFFFFFFC0] =	vst v0  }
0x55: {  	v0 =	vld [tilespmem:s21+$0x19740];
	_ =	sdelay $0x7  }
0x56: {  	v0 =	vld.idx.msk [tilespmem:v0+s5+$0x0], $0xffff;
	_ =	sdelay $0x4  }
0x57: {  	[tilespmem:s20+$0xFFFFFFD0] =	vst v0  }
0x58: {  	v0 =	vld [tilespmem:s21+$0x19750];
	_ =	sdelay $0x7  }
0x59: {  	v0 =	vld.idx.msk [tilespmem:v0+s5+$0x0], $0xffff;
	_ =	sdelay $0x4  }
0x5a: {  	[tilespmem:s20+$0xFFFFFFE0] =	vst v0  }
0x5b: {  	v0 =	vld [tilespmem:s21+$0x19760];
	_ =	sdelay $0x7  }
0x5c: {  	v0 =	vld.idx.msk [tilespmem:v0+s5+$0x0], $0xffff;
	_ =	sdelay $0x4  }
0x5d: {  	[tilespmem:s20+$0xFFFFFFF0] =	vst v0  }
0x5e: {  	v0 =	vld [tilespmem:s21+$0x19770];
	_ =	sdelay $0x7  }
0x5f: {  	p0 =	sne.s32 s19, $0x3E00;
	v0 =	vld.idx.msk [tilespmem:v0+s5+$0x0], $0xffff  }
.Ltmp2:
0x60: {  	_ = 	snop;
	(pc) =	sbr.rel @p0 .LBB2_7-.Ltmp2, $2  }
0x61: {  	_ =	sdelay $0x2  }
0x62: {  	s19 =	sadd.s32 $0x200, s19;
	[tilespmem:s20+$0x0] =	vst v0;
	s20 =	sadd.s32 $0x100, s20  }
0x63: {  	s19 =	sadd.s32 s18, s7;
	s20 =	simm.s32 $0x1C780  }
0x64: {  	s21 =	simm.s32 $0x80;
	s22 =	simm.s32 $0x1C880;
	s23 =	sadd.s32 $0x0, s19  }
.LBB2_9:
0x65: {  	[hbm4b:s23+s5] =	stream.linear.scatter [tilespmem:s20], [sflag:$0x1], $0x80, $0x38;
	[tilespmem:$0x1E700] =	vst v63  }
0x66: {  	s23 =	smov.u32 s21;
	s20 =	smov.u32 s22;
	p0 =	sne.s32 s21, $0xF80  }
.Ltmp3:
0x67: {  	s21 =	sadd.s32 $0x80, s21;
	(pc) =	sbr.rel @p0 .LBB2_9-.Ltmp3, $2  }
0x68: {  	_ =	sdelay $0x2  }
0x69: {  	s22 =	sadd.s32 $0x100, s22;
	s23 =	sadd.s32 s23, s19  }
0x6a: {  	[hbm4b:s23+s5] =	stream.linear.scatter [tilespmem:s20], [sflag:$0x1], $0x80, $0x38;
	[tilespmem:$0x1E700] =	vst v63  }
0x6b: {  	_ =	swait.ge [sflag:s15], $0x1000  }
0x6c: {  	[sflag:s15] =	ssyncset.done $0x0  }
0x6d: {  	s19 =	simm.s32 $0x0;
	s20 =	simm.s32 $0x1A770;
	[sflag:s15] =	ssyncadd.s32 $0xFFFFF000  }
.LBB2_11:
0x6e: {  	v0 =	vld [tilespmem:s20+$0xFFFFFF90];
	_ =	sdelay $0x7  }
0x6f: {  	v0 =	vld.idx.msk [tilespmem:v0+s5+$0x0], $0xffff;
	_ =	sdelay $0x3  }
0x70: {  	s21 =	sshra.s32 s19, $0x2  }
0x71: {  	[tilespmem:s21+$0x1C700] =	vst v0  }
0x72: {  	v0 =	vld [tilespmem:s20+$0xFFFFFFA0];
	_ =	sdelay $0x7  }
0x73: {  	v0 =	vld.idx.msk [tilespmem:v0+s5+$0x0], $0xffff;
	_ =	sdelay $0x4  }
0x74: {  	[tilespmem:s21+$0x1C710] =	vst v0  }
0x75: {  	v0 =	vld [tilespmem:s20+$0xFFFFFFB0];
	_ =	sdelay $0x7  }
0x76: {  	v0 =	vld.idx.msk [tilespmem:v0+s5+$0x0], $0xffff;
	_ =	sdelay $0x4  }
0x77: {  	[tilespmem:s21+$0x1C720] =	vst v0  }
0x78: {  	v0 =	vld [tilespmem:s20+$0xFFFFFFC0];
	_ =	sdelay $0x7  }
0x79: {  	v0 =	vld.idx.msk [tilespmem:v0+s5+$0x0], $0xffff;
	_ =	sdelay $0x4  }
0x7a: {  	[tilespmem:s21+$0x1C730] =	vst v0  }
0x7b: {  	v0 =	vld [tilespmem:s20+$0xFFFFFFD0];
	_ =	sdelay $0x7  }
0x7c: {  	v0 =	vld.idx.msk [tilespmem:v0+s5+$0x0], $0xffff;
	_ =	sdelay $0x4  }
0x7d: {  	[tilespmem:s21+$0x1C740] =	vst v0  }
0x7e: {  	v0 =	vld [tilespmem:s20+$0xFFFFFFE0];
	_ =	sdelay $0x7  }
0x7f: {  	v0 =	vld.idx.msk [tilespmem:v0+s5+$0x0], $0xffff;
	_ =	sdelay $0x4  }
0x80: {  	[tilespmem:s21+$0x1C750] =	vst v0  }
0x81: {  	v0 =	vld [tilespmem:s20+$0xFFFFFFF0];
	_ =	sdelay $0x7  }
0x82: {  	v0 =	vld.idx.msk [tilespmem:v0+s5+$0x0], $0xffff;
	_ =	sdelay $0x4  }
0x83: {  	[tilespmem:s21+$0x1C760] =	vst v0  }
0x84: {  	v0 =	vld [tilespmem:s20+$0x0];
	_ =	sdelay $0x7  }
0x85: {  	p0 =	sne.s32 s19, $0x7C00;
	v0 =	vld.idx.msk [tilespmem:v0+s5+$0x0], $0xffff  }
.Ltmp4:
0x86: {  	_ = 	snop;
	(pc) =	sbr.rel @p0 .LBB2_11-.Ltmp4, $2  }
0x87: {  	_ =	sdelay $0x2  }
0x88: {  	s19 =	sadd.s32 $0x400, s19;
	s20 =	sadd.s32 $0x80, s20;
	[tilespmem:s21+$0x1C770] =	vst v0  }
0x89: {  	s19 =	sadd.s32 s18, s8;
	s20 =	simm.s32 $0x1C700  }
0x8a: {  	s21 =	simm.s32 $0x80;
	s22 =	simm.s32 $0x1C800;
	s23 =	sadd.s32 $0x0, s19  }
.LBB2_13:
0x8b: {  	[hbm4b:s23+s5] =	stream.linear.scatter [tilespmem:s20], [sflag:$0x1], $0x80, $0x38;
	[tilespmem:$0x1E700] =	vst v63  }
0x8c: {  	s23 =	smov.u32 s21;
	s20 =	smov.u32 s22;
	p0 =	sne.s32 s21, $0xF80  }
.Ltmp5:
0x8d: {  	s21 =	sadd.s32 $0x80, s21;
	(pc) =	sbr.rel @p0 .LBB2_13-.Ltmp5, $2  }
0x8e: {  	_ =	sdelay $0x2  }
0x8f: {  	s22 =	sadd.s32 $0x100, s22;
	s23 =	sadd.s32 s23, s19  }
0x90: {  	[hbm4b:s23+s5] =	stream.linear.scatter [tilespmem:s20], [sflag:$0x1], $0x80, $0x38;
	[tilespmem:$0x1E700] =	vst v63  }
0x91: {  	_ =	swait.ge [sflag:s15], $0x1000  }
0x92: {  	[sflag:s15] =	ssyncset.done $0x0  }
0x93: {  	s19 =	simm.s32 $0x0;
	s20 =	simm.s32 $0x1C7F0;
	[sflag:s15] =	ssyncadd.s32 $0xFFFFF000  }
.LBB2_15:
0x94: {  	s21 =	sshra.s32 s19, $0x2  }
0x95: {  	v0 =	vld [tilespmem:s21+$0x1B700];
	_ =	sdelay $0x7  }
0x96: {  	v0 =	vld.idx.msk [tilespmem:v0+s5+$0x0], $0xffff;
	_ =	sdelay $0x4  }
0x97: {  	[tilespmem:s20+$0xFFFFFF90] =	vst v0  }
0x98: {  	v0 =	vld [tilespmem:s21+$0x1B710];
	_ =	sdelay $0x7  }
0x99: {  	v0 =	vld.idx.msk [tilespmem:v0+s5+$0x0], $0xffff;
	_ =	sdelay $0x4  }
0x9a: {  	[tilespmem:s20+$0xFFFFFFA0] =	vst v0  }
0x9b: {  	v0 =	vld [tilespmem:s21+$0x1B720];
	_ =	sdelay $0x7  }
0x9c: {  	v0 =	vld.idx.msk [tilespmem:v0+s5+$0x0], $0xffff;
	_ =	sdelay $0x4  }
0x9d: {  	[tilespmem:s20+$0xFFFFFFB0] =	vst v0  }
0x9e: {  	v0 =	vld [tilespmem:s21+$0x1B730];
	_ =	sdelay $0x7  }
0x9f: {  	v0 =	vld.idx.msk [tilespmem:v0+s5+$0x0], $0xffff;
	_ =	sdelay $0x4  }
0xa0: {  	[tilespmem:s20+$0xFFFFFFC0] =	vst v0  }
0xa1: {  	v0 =	vld [tilespmem:s21+$0x1B740];
	_ =	sdelay $0x7  }
0xa2: {  	v0 =	vld.idx.msk [tilespmem:v0+s5+$0x0], $0xffff;
	_ =	sdelay $0x4  }
0xa3: {  	[tilespmem:s20+$0xFFFFFFD0] =	vst v0  }
0xa4: {  	v0 =	vld [tilespmem:s21+$0x1B750];
	_ =	sdelay $0x7  }
0xa5: {  	v0 =	vld.idx.msk [tilespmem:v0+s5+$0x0], $0xffff;
	_ =	sdelay $0x4  }
0xa6: {  	[tilespmem:s20+$0xFFFFFFE0] =	vst v0  }
0xa7: {  	v0 =	vld [tilespmem:s21+$0x1B760];
	_ =	sdelay $0x7  }
0xa8: {  	v0 =	vld.idx.msk [tilespmem:v0+s5+$0x0], $0xffff;
	_ =	sdelay $0x4  }
0xa9: {  	[tilespmem:s20+$0xFFFFFFF0] =	vst v0  }
0xaa: {  	v0 =	vld [tilespmem:s21+$0x1B770];
	_ =	sdelay $0x7  }
0xab: {  	p0 =	sne.s32 s19, $0x3E00;
	v0 =	vld.idx.msk [tilespmem:v0+s5+$0x0], $0xffff  }
.Ltmp6:
0xac: {  	_ = 	snop;
	(pc) =	sbr.rel @p0 .LBB2_15-.Ltmp6, $2  }
0xad: {  	_ =	sdelay $0x2  }
0xae: {  	s19 =	sadd.s32 $0x200, s19;
	[tilespmem:s20+$0x0] =	vst v0;
	s20 =	sadd.s32 $0x100, s20  }
0xaf: {  	s18 =	sadd.s32 s18, s9;
	s19 =	simm.s32 $0x1C780  }
0xb0: {  	s20 =	simm.s32 $0x80;
	s21 =	simm.s32 $0x1C880;
	s22 =	sadd.s32 $0x0, s18  }
.LBB2_17:
0xb1: {  	[hbm4b:s22+s5] =	stream.linear.scatter [tilespmem:s19], [sflag:$0x1], $0x80, $0x38;
	[tilespmem:$0x1E700] =	vst v63  }
0xb2: {  	s22 =	smov.u32 s20;
	s19 =	smov.u32 s21;
	p0 =	sne.s32 s20, $0xF80  }
.Ltmp7:
0xb3: {  	s20 =	sadd.s32 $0x80, s20;
	(pc) =	sbr.rel @p0 .LBB2_17-.Ltmp7, $2  }
0xb4: {  	_ =	sdelay $0x2  }
0xb5: {  	s21 =	sadd.s32 $0x100, s21;
	s22 =	sadd.s32 s22, s18  }
0xb6: {  	[hbm4b:s22+s5] =	stream.linear.scatter [tilespmem:s19], [sflag:$0x1], $0x80, $0x38;
	[tilespmem:$0x1E700] =	vst v63  }
0xb7: {  	s17 =	sadd.s32 $0x1, s17  }
0xb8: {  	_ =	swait.ge [sflag:s15], $0x1000;
	p0 =	sne.s32 s17, $0x1A  }
.Ltmp8:
0xb9: {  	[sflag:s15] =	ssyncset.done $0x0;
	(pc) =	sbr.rel @p0 .LBB2_2-.Ltmp8, $4  }
0xba: {  	[sflag:s15] =	ssyncadd.s32 $0xFFFFF000  }
0xbb: {  	_ =	swait.ge [sflag:s15], $0x1000  }
0xbc: {  	[sflag:s15] =	ssyncset.done $0x0  }
0xbd: {  	[sflag:s15] =	ssyncadd.s32 $0xFFFFF000  }
0xbe: {  	s16 =	sadd.s32 $0x1, s16  }
0xbf: {  	p0 =	sne.s32 s16, s10  }
.Ltmp9:
0xc0: {  	_ = 	snop;
	(pc) =	sbr.rel @p0 .LBB2_1-.Ltmp9, $1  }
0xc1: {  	_ =	sdelay $0x3  }
0xc2: {  	_ =	sfence.sel $0x180000  }
0xc3: {  	[bflag:$0x0] =	sbarrier.arrive $0xFFFF  }
0xc4: {  	p0 =	sne.s32 s3, $0x0;
	_ =	strace $0x90000047  }
0xc5: {  	s0 =	sadd.s32 @!p0 $0x100000, s0;
	[bflag:$0x2] =	sbarrier.arrive $0xFFFF  }
0xc6: {  	[sflag:s0] =	ssyncadd.tile.s32 @!p0 $0x1;
	_ =	shalt  }
.Lfunc_end2:
_tile_overlayer_lowered:
.L_overlay_start_2:
0xc7: {  	(tag) =	ssettag $0x2  }
0xc8: {  	s0 =	rddreg [dreg:$0x0];
	s2 =	stileid.u32  }
0xc9: {  	s1 =	rddreg [dreg:$0x1];
	p0 =	sne.s32 s2, $0x0  }
0xca: {  	s3 =	rddreg [dreg:$0x2];
	[bflag:$0x3] =	sbarrier.arrive $0xFFFF;
	s2 =	simm.s32 @!p0 $0x1C02  }
0xcb: {  	[timem:s3], [sflag:s2] =	dma.local @!p0 [hbm:s0], s1  }
0xcc: {  	s0 =	simm.s32 @!p0 $0x2  }
0xcd: {  	_ =	swait.ge @!p0 [sflag:s0], s1  }
0xce: {  	s1 =	ssub.s32 @!p0 $0x0, s1;
	[sflag:s0] =	ssyncset.done @!p0 $0x0  }
0xcf: {  	[sflag:s0] =	ssyncadd.s32 @!p0 s1  }
0xd0: {  	[bflag:$0x3] =	sbarrier.arrive $0xFFFF  }
0xd1: {  	_ =	shalt  }

</sc_bundles>
